<compile_context>
chip_gen: v7x
topology: tpu7x:2x2x1
jax: 0.10.2.dev20260603
libtpu: 0.0.44.dev20260713+nightly
codegen_flags: <defaults>
</compile_context>

<pallas_src>
import functools

import jax
import jax.numpy as jnp
from jax import lax
from jax.experimental import pallas as pl
from jax.experimental.pallas import tpu as pltpu
from jax.experimental.pallas import tpu_sc as plsc

B = 16384
EMB = 32
NTILE = 1000000 // 8
NC, NS = 2, 16
NW = NC * NS
BPW = B // NW
CH = 16
NCH = BPW // CH
PACK = 4
BP = B // PACK


@functools.lru_cache(maxsize=None)
def _make_sc_gather():
  mesh = plsc.VectorSubcoreMesh(
      core_axis_name="c", subcore_axis_name="s", num_cores=NC, num_subcores=NS)

  @functools.partial(
      pl.kernel,
      out_type=[jax.ShapeDtypeStruct((B * EMB,), jnp.float32)] * 4,
      mesh=mesh,
      scratch_types=[
          pltpu.SMEM((BPW,), jnp.int32),
          pltpu.SMEM((BPW,), jnp.int32),
          pltpu.VMEM((BPW,), jnp.int32),
          pltpu.VMEM((CH, 8, EMB), jnp.float32),
          pltpu.VMEM((CH, 8, EMB), jnp.float32),
          pltpu.VMEM((CH, 8, EMB), jnp.float32),
          pltpu.VMEM((CH, 8, EMB), jnp.float32),
          pltpu.VMEM((CH * EMB,), jnp.float32),
          pltpu.VMEM((CH * EMB,), jnp.float32),
          pltpu.VMEM((CH * EMB,), jnp.float32),
          pltpu.VMEM((CH * EMB,), jnp.float32),
          pltpu.SemaphoreType.DMA,
          pltpu.SemaphoreType.DMA,
      ],
      compiler_params=pltpu.CompilerParams(needs_layout_passes=False),
  )
  def sc_gather(user_h, item_h,
                ue_mlp_h, ie_mlp_h, ue_gmf_h, ie_gmf_h,
                out_um_h, out_im_h, out_ug_h, out_ig_h,
                uidx_s, iidx_s, idx_v,
                um_t, im_t, ug_t, ig_t,
                um_v, im_v, ug_v, ig_v, gsem, wsem):
    wid = lax.axis_index("s") * NC + lax.axis_index("c")
    base = wid * BPW
    lane = lax.iota(jnp.int32, 16)

    def stage_scalars(dst_s):
      def body16(k, carry):
        v = idx_v[pl.ds(k * 16, 16)].astype(jnp.float32)
        for q in range(16):
          dst_s[k * 16 + q] = jnp.sum(
              jnp.where(lane == q, v, 0.0)).astype(jnp.int32)
        return carry
      lax.fori_loop(0, BPW // 16, body16, None)

    pltpu.sync_copy(user_h.at[pl.ds(base, BPW)], idx_v)
    stage_scalars(uidx_s)
    pltpu.sync_copy(item_h.at[pl.ds(base, BPW)], idx_v)
    stage_scalars(iidx_s)

    tabs = ((ue_mlp_h, None, um_t, um_v, uidx_s, out_um_h),
            (ie_mlp_h, None, im_t, im_v, iidx_s, out_im_h),
            (ue_gmf_h, None, ug_t, ug_v, uidx_s, out_ug_h),
            (ie_gmf_h, None, ig_t, ig_v, iidx_s, out_ig_h))

    def chunk(c, _):
      off = base + c * CH

      def fire(j, carry):
        for t, _tid, tiles, _rows, idx_s, _o in tabs:
          tid = idx_s[c * CH + j] >> 3
          pltpu.async_copy(t.at[tid], tiles.at[j], gsem)
        return carry
      lax.fori_loop(0, CH, fire, None)
      for t, _tid, tiles, _rows, _s, _o in tabs:
        pltpu.make_async_copy(t.at[pl.ds(0, CH)], tiles, gsem).wait()

      def row(j, carry):
        for _t, _tid, tiles, rows, idx_s, _o in tabs:
          r = idx_s[c * CH + j] & 7
          for half in range(2):
            rows[pl.ds(j * EMB + half * 16, 16)] = (
                tiles[j, r, pl.ds(half * 16, 16)])
        return carry
      lax.fori_loop(0, CH, row, None)
      wcopies = [pltpu.async_copy(
          rows, out.at[pl.ds(off * EMB, CH * EMB)], wsem)
          for _t, _tid, _tl, rows, _s, out in tabs]
      for wc in wcopies:
        wc.wait()
      return _

    lax.fori_loop(0, NCH, chunk, None)

  return sc_gather


BLK = 1024


def _tc_body(um_ref, im_ref, ug_ref, ig_ref,
             w1u_ref, w1i_ref, b1_ref, w2_ref, b2_ref,
             wog_ref, wom_ref, bo_ref, out_ref):
    h = jnp.dot(um_ref[...], w1u_ref[...], preferred_element_type=jnp.float32)
    h = h + jnp.dot(im_ref[...], w1i_ref[...], preferred_element_type=jnp.float32)
    h = jnp.maximum(h + b1_ref[...], 0.0)
    m = jnp.dot(h, w2_ref[...], preferred_element_type=jnp.float32)
    m = jnp.maximum(m + b2_ref[...], 0.0)
    g = ug_ref[...] * ig_ref[...]
    o = jnp.dot(g, wog_ref[...], preferred_element_type=jnp.float32)
    o = o + jnp.dot(m, wom_ref[...], preferred_element_type=jnp.float32)
    out_ref[...] = o + bo_ref[...]


def _tc_dense(um, im, ug, ig, W1u_e, W1i_e, b1_e, W2_e, b2_e, Wog_e, Wom_e, bo):
    grid = (BP // BLK,)
    row_spec = pl.BlockSpec((BLK, PACK * EMB), lambda i: (i, 0))
    full = lambda shape: pl.BlockSpec(shape, lambda i: (0,) * len(shape))
    return pl.pallas_call(
        _tc_body,
        grid=grid,
        in_specs=[row_spec, row_spec, row_spec, row_spec,
                  full((PACK * EMB, PACK * 64)), full((PACK * EMB, PACK * 64)),
                  full((1, PACK * 64)),
                  full((PACK * 64, PACK * EMB)), full((1, PACK * EMB)),
                  full((PACK * EMB, PACK)), full((PACK * EMB, PACK)),
                  full((1, 1))],
        out_specs=pl.BlockSpec((BLK, PACK), lambda i: (i, 0)),
        out_shape=jax.ShapeDtypeStruct((BP, PACK), jnp.float32),
        compiler_params=pltpu.CompilerParams(
            dimension_semantics=("arbitrary",)),
    )(um, im, ug, ig, W1u_e, W1i_e, b1_e, W2_e, b2_e, Wog_e, Wom_e, bo)


def _block_diag(w):
    r, c = w.shape
    eye = jnp.eye(PACK, dtype=w.dtype)
    return (eye[:, None, :, None] * w[None, :, None, :]).reshape(PACK * r, PACK * c)


def kernel(user, item, user_emb_mlp, item_emb_mlp, user_emb_gmf, item_emb_gmf,
           W1, b1, W2, b2, Wo, bo):
    user = user.astype(jnp.int32)
    item = item.astype(jnp.int32)
    t3 = [t.reshape(NTILE, 8, EMB) for t in
          (user_emb_mlp, item_emb_mlp, user_emb_gmf, item_emb_gmf)]
    um, im, ug, ig = _make_sc_gather()(user, item, *t3)
    um = um.reshape(BP, PACK * EMB)
    im = im.reshape(BP, PACK * EMB)
    ug = ug.reshape(BP, PACK * EMB)
    ig = ig.reshape(BP, PACK * EMB)
    W1u_e = _block_diag(W1[:EMB])
    W1i_e = _block_diag(W1[EMB:])
    W2_e = _block_diag(W2)
    Wog_e = _block_diag(Wo[:EMB])
    Wom_e = _block_diag(Wo[EMB:])
    b1_e = jnp.tile(b1, PACK).reshape(1, -1)
    b2_e = jnp.tile(b2, PACK).reshape(1, -1)
    out_p = _tc_dense(um, im, ug, ig, W1u_e, W1i_e, b1_e, W2_e, b2_e,
                      Wog_e, Wom_e, bo.reshape(1, 1))
    return out_p.reshape(B)

# --- scband reference (transcript-rebuilt; emitter-appended) ---
"""Pipeline reference for scband-neural-cf-3513283248305 (READ-ONLY COPY).

The authoritative reference and input builder live on the scoring server;
editing this copy changes nothing except your own understanding.
"""

import jax, jax.numpy as jnp
import numpy as np

NUM_USERS = 1000000
NUM_ITEMS = 1000000
EMB = 32
BATCH = 16384


def setup_inputs(seed: int = 0) -> dict:
    key = jax.random.key(seed)
    ks = jax.random.split(key, 12)
    user = jax.random.randint(ks[0], (BATCH,), 0, NUM_USERS, dtype=jnp.int64) if jax.config.jax_enable_x64 else jax.random.randint(ks[0], (BATCH,), 0, NUM_USERS, dtype=jnp.int32)
    item = jax.random.randint(ks[1], (BATCH,), 0, NUM_ITEMS, dtype=user.dtype)
    inp = {
        "user": user,
        "item": item,
        "user_emb_mlp": jax.random.normal(ks[2], (NUM_USERS, EMB), dtype=jnp.float32) * 0.02,
        "item_emb_mlp": jax.random.normal(ks[3], (NUM_ITEMS, EMB), dtype=jnp.float32) * 0.02,
        "user_emb_gmf": jax.random.normal(ks[4], (NUM_USERS, EMB), dtype=jnp.float32) * 0.02,
        "item_emb_gmf": jax.random.normal(ks[5], (NUM_ITEMS, EMB), dtype=jnp.float32) * 0.02,
        "W1": jax.random.normal(ks[6], (2 * EMB, 64), dtype=jnp.float32) * 0.05,
        "b1": jnp.zeros((64,), dtype=jnp.float32),
        "W2": jax.random.normal(ks[7], (64, 32), dtype=jnp.float32) * 0.05,
        "b2": jnp.zeros((32,), dtype=jnp.float32),
        "Wo": jax.random.normal(ks[8], (EMB + 32, 1), dtype=jnp.float32) * 0.05,
        "bo": jnp.zeros((1,), dtype=jnp.float32),
    }
    return inp


def reference(user, item, user_emb_mlp, item_emb_mlp, user_emb_gmf, item_emb_gmf, W1, b1, W2, b2, Wo, bo):
    u_mlp = jnp.take(user_emb_mlp, user, axis=0)
    i_mlp = jnp.take(item_emb_mlp, item, axis=0)
    h = jnp.concatenate([u_mlp, i_mlp], axis=1)
    h = jax.nn.relu(h @ W1 + b1)
    mlp_out = jax.nn.relu(h @ W2 + b2)
    u_gmf = jnp.take(user_emb_gmf, user, axis=0)
    i_gmf = jnp.take(item_emb_gmf, item, axis=0)
    gmf_out = u_gmf * i_gmf
    out = jnp.concatenate([gmf_out, mlp_out], axis=1) @ Wo + bo
    return jnp.squeeze(out, axis=-1)

if __name__ == "__main__":
    import jax
    _d = setup_inputs()
    print(jax.jit(kernel)(*tuple(_d.values())))

</pallas_src>

<mosaic_0001>
#map = affine_map<(d0, d1) -> (0)>
#map1 = affine_map<(d0, d1) -> (0, 0, 0)>
module attributes {stable_mosaic.version = 14 : i64} {
  func.func @sc_gather(%arg0: i32, %arg1: i32, %arg2: memref<16384xi32, #tpu.memory_space<hbm>>, %arg3: memref<16384xi32, #tpu.memory_space<hbm>>, %arg4: memref<125000x8x32xf32, #tpu.memory_space<hbm>>, %arg5: memref<125000x8x32xf32, #tpu.memory_space<hbm>>, %arg6: memref<125000x8x32xf32, #tpu.memory_space<hbm>>, %arg7: memref<125000x8x32xf32, #tpu.memory_space<hbm>>, %arg8: memref<524288xf32, #tpu.memory_space<hbm>>, %arg9: memref<524288xf32, #tpu.memory_space<hbm>>, %arg10: memref<524288xf32, #tpu.memory_space<hbm>>, %arg11: memref<524288xf32, #tpu.memory_space<hbm>>, %arg12: memref<512xi32, #tpu.memory_space<smem>>, %arg13: memref<512xi32, #tpu.memory_space<smem>>, %arg14: memref<512xi32, #tpu.memory_space<vmem>>, %arg15: memref<16x8x32xf32, #tpu.memory_space<vmem>>, %arg16: memref<16x8x32xf32, #tpu.memory_space<vmem>>, %arg17: memref<16x8x32xf32, #tpu.memory_space<vmem>>, %arg18: memref<16x8x32xf32, #tpu.memory_space<vmem>>, %arg19: memref<512xf32, #tpu.memory_space<vmem>>, %arg20: memref<512xf32, #tpu.memory_space<vmem>>, %arg21: memref<512xf32, #tpu.memory_space<vmem>>, %arg22: memref<512xf32, #tpu.memory_space<vmem>>, %arg23: memref<!tpu.dma_semaphore, #tpu.memory_space<semaphore_mem>>, %arg24: memref<!tpu.dma_semaphore, #tpu.memory_space<semaphore_mem>>) attributes {dimension_semantics = [#tpu.dimension_semantics<core_parallel>, #tpu.dimension_semantics<subcore_parallel>], iteration_bounds = array<i64: 2, 16>, scalar_prefetch = 0 : i64, scratch_operands = 13 : i64, tpu.core_type = #tpu.core_type<sc_vector_subcore>, window_params = [{transform_indices = #map}, {transform_indices = #map}, {transform_indices = #map1}, {transform_indices = #map1}, {transform_indices = #map1}, {transform_indices = #map1}, {transform_indices = #map}, {transform_indices = #map}, {transform_indices = #map}, {transform_indices = #map}]} {
    %mul3A = arith.constant 2 : i32
    %mul3A_0 = arith.muli %arg1, %mul3A : i32
    %add3A = arith.addi %mul3A_0, %arg0 : i32
    %mul3A_1 = arith.constant 512 : i32
    %mul3A_2 = arith.muli %add3A, %mul3A_1 : i32
    %iota3A = tpu.iota {dimensions = array<i32: 0>} : vector<16xi32>
    "tpu.region"() ({
      %run_scoped3A = tpu.sem_alloc : memref<!tpu.dma_semaphore, #tpu.memory_space<semaphore_mem>>
      %dma_start3A = tpu.memref_slice %arg2[%mul3A_2] : memref<16384xi32, #tpu.memory_space<hbm>> -> memref<512xi32, #tpu.memory_space<hbm>>
      %dma_start3A_17 = tpu.memref_slice %arg2[%mul3A_2] : memref<16384xi32, #tpu.memory_space<hbm>> -> memref<512xi32, #tpu.memory_space<hbm>>
      tpu.enqueue_dma source(%dma_start3A_17 : memref<512xi32, #tpu.memory_space<hbm>>) target(%arg14 : memref<512xi32, #tpu.memory_space<vmem>>) target_semaphore(%run_scoped3A : memref<!tpu.dma_semaphore, #tpu.memory_space<semaphore_mem>>)
      %dma_wait3A = tpu.memref_slice %arg2[%mul3A_2] : memref<16384xi32, #tpu.memory_space<hbm>> -> memref<512xi32, #tpu.memory_space<hbm>>
      %dma_wait3A_18 = tpu.memref_slice %arg2[%mul3A_2] : memref<16384xi32, #tpu.memory_space<hbm>> -> memref<512xi32, #tpu.memory_space<hbm>>
      tpu.wait_dma2 semaphore(%run_scoped3A : memref<!tpu.dma_semaphore, #tpu.memory_space<semaphore_mem>>) src(%dma_wait3A_18 : memref<512xi32, #tpu.memory_space<hbm>>) dst(%arg14 : memref<512xi32, #tpu.memory_space<vmem>>)
      tpu.yield
    }) : () -> ()
    %scan3A = arith.constant 0 : i32
    %scan3A_3 = arith.constant 32 : i32
    %scan3A_4 = arith.addi %scan3A, %scan3A_3 : i32
    %scan3A_5 = arith.constant 1 : i32
    scf.for %scan3A_17 = %scan3A to %scan3A_4 step %scan3A_5  : i32 {
      %mul3A_18 = arith.constant 16 : i32
      %mul3A_19 = arith.muli %scan3A_17, %mul3A_18 : i32
      %get3A = arith.index_cast %mul3A_19 : i32 to index
      %get3A_20 = tpu.vector_load %arg14[%get3A] {strides = array<i32>} : memref<512xi32, #tpu.memory_space<vmem>>, vector<16xi32>,
      %convert_element_type3A = arith.sitofp %get3A_20 : vector<16xi32> to vector<16xf32>
      %eq3A = arith.constant 0 : i32
      %eq3A_21 = vector.broadcast %eq3A : i32 to vector<16xi32>
      %eq3A_22 = arith.cmpi eq, %iota3A, %eq3A_21 : vector<16xi32>
      %jit3A = arith.constant 0.000000e+00 : f32
      %broadcast_in_dim3A = vector.broadcast %jit3A : f32 to vector<16xf32>
      %select_n3A = arith.select %eq3A_22, %convert_element_type3A, %broadcast_in_dim3A : vector<16xi1>, vector<16xf32>
      %reduce_sum3A = arith.constant true
      %reduce_sum3A_23 = vector.broadcast %reduce_sum3A : i1 to vector<16xi1>
      %reduce_sum3A_24 = tpu.scan <sum>, %select_n3A masked %reduce_sum3A_23 : vector<16xf32>, vector<16xi1> -> vector<16xf32>
      %reduce_sum3A_25 = vector.extract %reduce_sum3A_24[15] : f32 from vector<16xf32>
      %convert_element_type3A_26 = arith.fptosi %reduce_sum3A_25 : f32 to i32
      %mul3A_27 = arith.constant 16 : i32
      %mul3A_28 = arith.muli %scan3A_17, %mul3A_27 : i32
      %add3A_29 = arith.constant 0 : i32
      %add3A_30 = arith.addi %mul3A_28, %add3A_29 : i32
      %swap3A = arith.index_cast %add3A_30 : i32 to index
      %swap3A_31 = memref.load %arg12[%swap3A] : memref<512xi32, #tpu.memory_space<smem>>
      memref.store %convert_element_type3A_26, %arg12[%swap3A] : memref<512xi32, #tpu.memory_space<smem>>
      %eq3A_32 = arith.constant 1 : i32
      %eq3A_33 = vector.broadcast %eq3A_32 : i32 to vector<16xi32>
      %eq3A_34 = arith.cmpi eq, %iota3A, %eq3A_33 : vector<16xi32>
      %jit3A_35 = arith.constant 0.000000e+00 : f32
      %broadcast_in_dim3A_36 = vector.broadcast %jit3A_35 : f32 to vector<16xf32>
      %select_n3A_37 = arith.select %eq3A_34, %convert_element_type3A, %broadcast_in_dim3A_36 : vector<16xi1>, vector<16xf32>
      %reduce_sum3A_38 = arith.constant true
      %reduce_sum3A_39 = vector.broadcast %reduce_sum3A_38 : i1 to vector<16xi1>
      %reduce_sum3A_40 = tpu.scan <sum>, %select_n3A_37 masked %reduce_sum3A_39 : vector<16xf32>, vector<16xi1> -> vector<16xf32>
      %reduce_sum3A_41 = vector.extract %reduce_sum3A_40[15] : f32 from vector<16xf32>
      %convert_element_type3A_42 = arith.fptosi %reduce_sum3A_41 : f32 to i32
      %mul3A_43 = arith.constant 16 : i32
      %mul3A_44 = arith.muli %scan3A_17, %mul3A_43 : i32
      %add3A_45 = arith.constant 1 : i32
      %add3A_46 = arith.addi %mul3A_44, %add3A_45 : i32
      %swap3A_47 = arith.index_cast %add3A_46 : i32 to index
      %swap3A_48 = memref.load %arg12[%swap3A_47] : memref<512xi32, #tpu.memory_space<smem>>
      memref.store %convert_element_type3A_42, %arg12[%swap3A_47] : memref<512xi32, #tpu.memory_space<smem>>
      %eq3A_49 = arith.constant 2 : i32
      %eq3A_50 = vector.broadcast %eq3A_49 : i32 to vector<16xi32>
      %eq3A_51 = arith.cmpi eq, %iota3A, %eq3A_50 : vector<16xi32>
      %jit3A_52 = arith.constant 0.000000e+00 : f32
      %broadcast_in_dim3A_53 = vector.broadcast %jit3A_52 : f32 to vector<16xf32>
      %select_n3A_54 = arith.select %eq3A_51, %convert_element_type3A, %broadcast_in_dim3A_53 : vector<16xi1>, vector<16xf32>
      %reduce_sum3A_55 = arith.constant true
      %reduce_sum3A_56 = vector.broadcast %reduce_sum3A_55 : i1 to vector<16xi1>
      %reduce_sum3A_57 = tpu.scan <sum>, %select_n3A_54 masked %reduce_sum3A_56 : vector<16xf32>, vector<16xi1> -> vector<16xf32>
      %reduce_sum3A_58 = vector.extract %reduce_sum3A_57[15] : f32 from vector<16xf32>
      %convert_element_type3A_59 = arith.fptosi %reduce_sum3A_58 : f32 to i32
      %mul3A_60 = arith.constant 16 : i32
      %mul3A_61 = arith.muli %scan3A_17, %mul3A_60 : i32
      %add3A_62 = arith.constant 2 : i32
      %add3A_63 = arith.addi %mul3A_61, %add3A_62 : i32
      %swap3A_64 = arith.index_cast %add3A_63 : i32 to index
      %swap3A_65 = memref.load %arg12[%swap3A_64] : memref<512xi32, #tpu.memory_space<smem>>
      memref.store %convert_element_type3A_59, %arg12[%swap3A_64] : memref<512xi32, #tpu.memory_space<smem>>
      %eq3A_66 = arith.constant 3 : i32
      %eq3A_67 = vector.broadcast %eq3A_66 : i32 to vector<16xi32>
      %eq3A_68 = arith.cmpi eq, %iota3A, %eq3A_67 : vector<16xi32>
      %jit3A_69 = arith.constant 0.000000e+00 : f32
      %broadcast_in_dim3A_70 = vector.broadcast %jit3A_69 : f32 to vector<16xf32>
      %select_n3A_71 = arith.select %eq3A_68, %convert_element_type3A, %broadcast_in_dim3A_70 : vector<16xi1>, vector<16xf32>
      %reduce_sum3A_72 = arith.constant true
      %reduce_sum3A_73 = vector.broadcast %reduce_sum3A_72 : i1 to vector<16xi1>
      %reduce_sum3A_74 = tpu.scan <sum>, %select_n3A_71 masked %reduce_sum3A_73 : vector<16xf32>, vector<16xi1> -> vector<16xf32>
      %reduce_sum3A_75 = vector.extract %reduce_sum3A_74[15] : f32 from vector<16xf32>
      %convert_element_type3A_76 = arith.fptosi %reduce_sum3A_75 : f32 to i32
      %mul3A_77 = arith.constant 16 : i32
      %mul3A_78 = arith.muli %scan3A_17, %mul3A_77 : i32
      %add3A_79 = arith.constant 3 : i32
      %add3A_80 = arith.addi %mul3A_78, %add3A_79 : i32
      %swap3A_81 = arith.index_cast %add3A_80 : i32 to index
      %swap3A_82 = memref.load %arg12[%swap3A_81] : memref<512xi32, #tpu.memory_space<smem>>
      memref.store %convert_element_type3A_76, %arg12[%swap3A_81] : memref<512xi32, #tpu.memory_space<smem>>
      %eq3A_83 = arith.constant 4 : i32
      %eq3A_84 = vector.broadcast %eq3A_83 : i32 to vector<16xi32>
      %eq3A_85 = arith.cmpi eq, %iota3A, %eq3A_84 : vector<16xi32>
      %jit3A_86 = arith.constant 0.000000e+00 : f32
      %broadcast_in_dim3A_87 = vector.broadcast %jit3A_86 : f32 to vector<16xf32>
      %select_n3A_88 = arith.select %eq3A_85, %convert_element_type3A, %broadcast_in_dim3A_87 : vector<16xi1>, vector<16xf32>
      %reduce_sum3A_89 = arith.constant true
      %reduce_sum3A_90 = vector.broadcast %reduce_sum3A_89 : i1 to vector<16xi1>
      %reduce_sum3A_91 = tpu.scan <sum>, %select_n3A_88 masked %reduce_sum3A_90 : vector<16xf32>, vector<16xi1> -> vector<16xf32>
      %reduce_sum3A_92 = vector.extract %reduce_sum3A_91[15] : f32 from vector<16xf32>
      %convert_element_type3A_93 = arith.fptosi %reduce_sum3A_92 : f32 to i32
      %mul3A_94 = arith.constant 16 : i32
      %mul3A_95 = arith.muli %scan3A_17, %mul3A_94 : i32
      %add3A_96 = arith.constant 4 : i32
      %add3A_97 = arith.addi %mul3A_95, %add3A_96 : i32
      %swap3A_98 = arith.index_cast %add3A_97 : i32 to index
      %swap3A_99 = memref.load %arg12[%swap3A_98] : memref<512xi32, #tpu.memory_space<smem>>
      memref.store %convert_element_type3A_93, %arg12[%swap3A_98] : memref<512xi32, #tpu.memory_space<smem>>
      %eq3A_100 = arith.constant 5 : i32
      %eq3A_101 = vector.broadcast %eq3A_100 : i32 to vector<16xi32>
      %eq3A_102 = arith.cmpi eq, %iota3A, %eq3A_101 : vector<16xi32>
      %jit3A_103 = arith.constant 0.000000e+00 : f32
      %broadcast_in_dim3A_104 = vector.broadcast %jit3A_103 : f32 to vector<16xf32>
      %select_n3A_105 = arith.select %eq3A_102, %convert_element_type3A, %broadcast_in_dim3A_104 : vector<16xi1>, vector<16xf32>
      %reduce_sum3A_106 = arith.constant true
      %reduce_sum3A_107 = vector.broadcast %reduce_sum3A_106 : i1 to vector<16xi1>
      %reduce_sum3A_108 = tpu.scan <sum>, %select_n3A_105 masked %reduce_sum3A_107 : vector<16xf32>, vector<16xi1> -> vector<16xf32>
      %reduce_sum3A_109 = vector.extract %reduce_sum3A_108[15] : f32 from vector<16xf32>
      %convert_element_type3A_110 = arith.fptosi %reduce_sum3A_109 : f32 to i32
      %mul3A_111 = arith.constant 16 : i32
      %mul3A_112 = arith.muli %scan3A_17, %mul3A_111 : i32
      %add3A_113 = arith.constant 5 : i32
      %add3A_114 = arith.addi %mul3A_112, %add3A_113 : i32
      %swap3A_115 = arith.index_cast %add3A_114 : i32 to index
      %swap3A_116 = memref.load %arg12[%swap3A_115] : memref<512xi32, #tpu.memory_space<smem>>
      memref.store %convert_element_type3A_110, %arg12[%swap3A_115] : memref<512xi32, #tpu.memory_space<smem>>
      %eq3A_117 = arith.constant 6 : i32
      %eq3A_118 = vector.broadcast %eq3A_117 : i32 to vector<16xi32>
      %eq3A_119 = arith.cmpi eq, %iota3A, %eq3A_118 : vector<16xi32>
      %jit3A_120 = arith.constant 0.000000e+00 : f32
      %broadcast_in_dim3A_121 = vector.broadcast %jit3A_120 : f32 to vector<16xf32>
      %select_n3A_122 = arith.select %eq3A_119, %convert_element_type3A, %broadcast_in_dim3A_121 : vector<16xi1>, vector<16xf32>
      %reduce_sum3A_123 = arith.constant true
      %reduce_sum3A_124 = vector.broadcast %reduce_sum3A_123 : i1 to vector<16xi1>
      %reduce_sum3A_125 = tpu.scan <sum>, %select_n3A_122 masked %reduce_sum3A_124 : vector<16xf32>, vector<16xi1> -> vector<16xf32>
      %reduce_sum3A_126 = vector.extract %reduce_sum3A_125[15] : f32 from vector<16xf32>
      %convert_element_type3A_127 = arith.fptosi %reduce_sum3A_126 : f32 to i32
      %mul3A_128 = arith.constant 16 : i32
      %mul3A_129 = arith.muli %scan3A_17, %mul3A_128 : i32
      %add3A_130 = arith.constant 6 : i32
      %add3A_131 = arith.addi %mul3A_129, %add3A_130 : i32
      %swap3A_132 = arith.index_cast %add3A_131 : i32 to index
      %swap3A_133 = memref.load %arg12[%swap3A_132] : memref<512xi32, #tpu.memory_space<smem>>
      memref.store %convert_element_type3A_127, %arg12[%swap3A_132] : memref<512xi32, #tpu.memory_space<smem>>
      %eq3A_134 = arith.constant 7 : i32
      %eq3A_135 = vector.broadcast %eq3A_134 : i32 to vector<16xi32>
      %eq3A_136 = arith.cmpi eq, %iota3A, %eq3A_135 : vector<16xi32>
      %jit3A_137 = arith.constant 0.000000e+00 : f32
      %broadcast_in_dim3A_138 = vector.broadcast %jit3A_137 : f32 to vector<16xf32>
      %select_n3A_139 = arith.select %eq3A_136, %convert_element_type3A, %broadcast_in_dim3A_138 : vector<16xi1>, vector<16xf32>
      %reduce_sum3A_140 = arith.constant true
      %reduce_sum3A_141 = vector.broadcast %reduce_sum3A_140 : i1 to vector<16xi1>
      %reduce_sum3A_142 = tpu.scan <sum>, %select_n3A_139 masked %reduce_sum3A_141 : vector<16xf32>, vector<16xi1> -> vector<16xf32>
      %reduce_sum3A_143 = vector.extract %reduce_sum3A_142[15] : f32 from vector<16xf32>
      %convert_element_type3A_144 = arith.fptosi %reduce_sum3A_143 : f32 to i32
      %mul3A_145 = arith.constant 16 : i32
      %mul3A_146 = arith.muli %scan3A_17, %mul3A_145 : i32
      %add3A_147 = arith.constant 7 : i32
      %add3A_148 = arith.addi %mul3A_146, %add3A_147 : i32
      %swap3A_149 = arith.index_cast %add3A_148 : i32 to index
      %swap3A_150 = memref.load %arg12[%swap3A_149] : memref<512xi32, #tpu.memory_space<smem>>
      memref.store %convert_element_type3A_144, %arg12[%swap3A_149] : memref<512xi32, #tpu.memory_space<smem>>
      %eq3A_151 = arith.constant 8 : i32
      %eq3A_152 = vector.broadcast %eq3A_151 : i32 to vector<16xi32>
      %eq3A_153 = arith.cmpi eq, %iota3A, %eq3A_152 : vector<16xi32>
      %jit3A_154 = arith.constant 0.000000e+00 : f32
      %broadcast_in_dim3A_155 = vector.broadcast %jit3A_154 : f32 to vector<16xf32>
      %select_n3A_156 = arith.select %eq3A_153, %convert_element_type3A, %broadcast_in_dim3A_155 : vector<16xi1>, vector<16xf32>
      %reduce_sum3A_157 = arith.constant true
      %reduce_sum3A_158 = vector.broadcast %reduce_sum3A_157 : i1 to vector<16xi1>
      %reduce_sum3A_159 = tpu.scan <sum>, %select_n3A_156 masked %reduce_sum3A_158 : vector<16xf32>, vector<16xi1> -> vector<16xf32>
      %reduce_sum3A_160 = vector.extract %reduce_sum3A_159[15] : f32 from vector<16xf32>
      %convert_element_type3A_161 = arith.fptosi %reduce_sum3A_160 : f32 to i32
      %mul3A_162 = arith.constant 16 : i32
      %mul3A_163 = arith.muli %scan3A_17, %mul3A_162 : i32
      %add3A_164 = arith.constant 8 : i32
      %add3A_165 = arith.addi %mul3A_163, %add3A_164 : i32
      %swap3A_166 = arith.index_cast %add3A_165 : i32 to index
      %swap3A_167 = memref.load %arg12[%swap3A_166] : memref<512xi32, #tpu.memory_space<smem>>
      memref.store %convert_element_type3A_161, %arg12[%swap3A_166] : memref<512xi32, #tpu.memory_space<smem>>
      %eq3A_168 = arith.constant 9 : i32
      %eq3A_169 = vector.broadcast %eq3A_168 : i32 to vector<16xi32>
      %eq3A_170 = arith.cmpi eq, %iota3A, %eq3A_169 : vector<16xi32>
      %jit3A_171 = arith.constant 0.000000e+00 : f32
      %broadcast_in_dim3A_172 = vector.broadcast %jit3A_171 : f32 to vector<16xf32>
      %select_n3A_173 = arith.select %eq3A_170, %convert_element_type3A, %broadcast_in_dim3A_172 : vector<16xi1>, vector<16xf32>
      %reduce_sum3A_174 = arith.constant true
      %reduce_sum3A_175 = vector.broadcast %reduce_sum3A_174 : i1 to vector<16xi1>
      %reduce_sum3A_176 = tpu.scan <sum>, %select_n3A_173 masked %reduce_sum3A_175 : vector<16xf32>, vector<16xi1> -> vector<16xf32>
      %reduce_sum3A_177 = vector.extract %reduce_sum3A_176[15] : f32 from vector<16xf32>
      %convert_element_type3A_178 = arith.fptosi %reduce_sum3A_177 : f32 to i32
      %mul3A_179 = arith.constant 16 : i32
      %mul3A_180 = arith.muli %scan3A_17, %mul3A_179 : i32
      %add3A_181 = arith.constant 9 : i32
      %add3A_182 = arith.addi %mul3A_180, %add3A_181 : i32
      %swap3A_183 = arith.index_cast %add3A_182 : i32 to index
      %swap3A_184 = memref.load %arg12[%swap3A_183] : memref<512xi32, #tpu.memory_space<smem>>
      memref.store %convert_element_type3A_178, %arg12[%swap3A_183] : memref<512xi32, #tpu.memory_space<smem>>
      %eq3A_185 = arith.constant 10 : i32
      %eq3A_186 = vector.broadcast %eq3A_185 : i32 to vector<16xi32>
      %eq3A_187 = arith.cmpi eq, %iota3A, %eq3A_186 : vector<16xi32>
      %jit3A_188 = arith.constant 0.000000e+00 : f32
      %broadcast_in_dim3A_189 = vector.broadcast %jit3A_188 : f32 to vector<16xf32>
      %select_n3A_190 = arith.select %eq3A_187, %convert_element_type3A, %broadcast_in_dim3A_189 : vector<16xi1>, vector<16xf32>
      %reduce_sum3A_191 = arith.constant true
      %reduce_sum3A_192 = vector.broadcast %reduce_sum3A_191 : i1 to vector<16xi1>
      %reduce_sum3A_193 = tpu.scan <sum>, %select_n3A_190 masked %reduce_sum3A_192 : vector<16xf32>, vector<16xi1> -> vector<16xf32>
      %reduce_sum3A_194 = vector.extract %reduce_sum3A_193[15] : f32 from vector<16xf32>
      %convert_element_type3A_195 = arith.fptosi %reduce_sum3A_194 : f32 to i32
      %mul3A_196 = arith.constant 16 : i32
      %mul3A_197 = arith.muli %scan3A_17, %mul3A_196 : i32
      %add3A_198 = arith.constant 10 : i32
      %add3A_199 = arith.addi %mul3A_197, %add3A_198 : i32
      %swap3A_200 = arith.index_cast %add3A_199 : i32 to index
      %swap3A_201 = memref.load %arg12[%swap3A_200] : memref<512xi32, #tpu.memory_space<smem>>
      memref.store %convert_element_type3A_195, %arg12[%swap3A_200] : memref<512xi32, #tpu.memory_space<smem>>
      %eq3A_202 = arith.constant 11 : i32
      %eq3A_203 = vector.broadcast %eq3A_202 : i32 to vector<16xi32>
      %eq3A_204 = arith.cmpi eq, %iota3A, %eq3A_203 : vector<16xi32>
      %jit3A_205 = arith.constant 0.000000e+00 : f32
      %broadcast_in_dim3A_206 = vector.broadcast %jit3A_205 : f32 to vector<16xf32>
      %select_n3A_207 = arith.select %eq3A_204, %convert_element_type3A, %broadcast_in_dim3A_206 : vector<16xi1>, vector<16xf32>
      %reduce_sum3A_208 = arith.constant true
      %reduce_sum3A_209 = vector.broadcast %reduce_sum3A_208 : i1 to vector<16xi1>
      %reduce_sum3A_210 = tpu.scan <sum>, %select_n3A_207 masked %reduce_sum3A_209 : vector<16xf32>, vector<16xi1> -> vector<16xf32>
      %reduce_sum3A_211 = vector.extract %reduce_sum3A_210[15] : f32 from vector<16xf32>
      %convert_element_type3A_212 = arith.fptosi %reduce_sum3A_211 : f32 to i32
      %mul3A_213 = arith.constant 16 : i32
      %mul3A_214 = arith.muli %scan3A_17, %mul3A_213 : i32
      %add3A_215 = arith.constant 11 : i32
      %add3A_216 = arith.addi %mul3A_214, %add3A_215 : i32
      %swap3A_217 = arith.index_cast %add3A_216 : i32 to index
      %swap3A_218 = memref.load %arg12[%swap3A_217] : memref<512xi32, #tpu.memory_space<smem>>
      memref.store %convert_element_type3A_212, %arg12[%swap3A_217] : memref<512xi32, #tpu.memory_space<smem>>
      %eq3A_219 = arith.constant 12 : i32
      %eq3A_220 = vector.broadcast %eq3A_219 : i32 to vector<16xi32>
      %eq3A_221 = arith.cmpi eq, %iota3A, %eq3A_220 : vector<16xi32>
      %jit3A_222 = arith.constant 0.000000e+00 : f32
      %broadcast_in_dim3A_223 = vector.broadcast %jit3A_222 : f32 to vector<16xf32>
      %select_n3A_224 = arith.select %eq3A_221, %convert_element_type3A, %broadcast_in_dim3A_223 : vector<16xi1>, vector<16xf32>
      %reduce_sum3A_225 = arith.constant true
      %reduce_sum3A_226 = vector.broadcast %reduce_sum3A_225 : i1 to vector<16xi1>
      %reduce_sum3A_227 = tpu.scan <sum>, %select_n3A_224 masked %reduce_sum3A_226 : vector<16xf32>, vector<16xi1> -> vector<16xf32>
      %reduce_sum3A_228 = vector.extract %reduce_sum3A_227[15] : f32 from vector<16xf32>
      %convert_element_type3A_229 = arith.fptosi %reduce_sum3A_228 : f32 to i32
      %mul3A_230 = arith.constant 16 : i32
      %mul3A_231 = arith.muli %scan3A_17, %mul3A_230 : i32
      %add3A_232 = arith.constant 12 : i32
      %add3A_233 = arith.addi %mul3A_231, %add3A_232 : i32
      %swap3A_234 = arith.index_cast %add3A_233 : i32 to index
      %swap3A_235 = memref.load %arg12[%swap3A_234] : memref<512xi32, #tpu.memory_space<smem>>
      memref.store %convert_element_type3A_229, %arg12[%swap3A_234] : memref<512xi32, #tpu.memory_space<smem>>
      %eq3A_236 = arith.constant 13 : i32
      %eq3A_237 = vector.broadcast %eq3A_236 : i32 to vector<16xi32>
      %eq3A_238 = arith.cmpi eq, %iota3A, %eq3A_237 : vector<16xi32>
      %jit3A_239 = arith.constant 0.000000e+00 : f32
      %broadcast_in_dim3A_240 = vector.broadcast %jit3A_239 : f32 to vector<16xf32>
      %select_n3A_241 = arith.select %eq3A_238, %convert_element_type3A, %broadcast_in_dim3A_240 : vector<16xi1>, vector<16xf32>
      %reduce_sum3A_242 = arith.constant true
      %reduce_sum3A_243 = vector.broadcast %reduce_sum3A_242 : i1 to vector<16xi1>
      %reduce_sum3A_244 = tpu.scan <sum>, %select_n3A_241 masked %reduce_sum3A_243 : vector<16xf32>, vector<16xi1> -> vector<16xf32>
      %reduce_sum3A_245 = vector.extract %reduce_sum3A_244[15] : f32 from vector<16xf32>
      %convert_element_type3A_246 = arith.fptosi %reduce_sum3A_245 : f32 to i32
      %mul3A_247 = arith.constant 16 : i32
      %mul3A_248 = arith.muli %scan3A_17, %mul3A_247 : i32
      %add3A_249 = arith.constant 13 : i32
      %add3A_250 = arith.addi %mul3A_248, %add3A_249 : i32
      %swap3A_251 = arith.index_cast %add3A_250 : i32 to index
      %swap3A_252 = memref.load %arg12[%swap3A_251] : memref<512xi32, #tpu.memory_space<smem>>
      memref.store %convert_element_type3A_246, %arg12[%swap3A_251] : memref<512xi32, #tpu.memory_space<smem>>
      %eq3A_253 = arith.constant 14 : i32
      %eq3A_254 = vector.broadcast %eq3A_253 : i32 to vector<16xi32>
      %eq3A_255 = arith.cmpi eq, %iota3A, %eq3A_254 : vector<16xi32>
      %jit3A_256 = arith.constant 0.000000e+00 : f32
      %broadcast_in_dim3A_257 = vector.broadcast %jit3A_256 : f32 to vector<16xf32>
      %select_n3A_258 = arith.select %eq3A_255, %convert_element_type3A, %broadcast_in_dim3A_257 : vector<16xi1>, vector<16xf32>
      %reduce_sum3A_259 = arith.constant true
      %reduce_sum3A_260 = vector.broadcast %reduce_sum3A_259 : i1 to vector<16xi1>
      %reduce_sum3A_261 = tpu.scan <sum>, %select_n3A_258 masked %reduce_sum3A_260 : vector<16xf32>, vector<16xi1> -> vector<16xf32>
      %reduce_sum3A_262 = vector.extract %reduce_sum3A_261[15] : f32 from vector<16xf32>
      %convert_element_type3A_263 = arith.fptosi %reduce_sum3A_262 : f32 to i32
      %mul3A_264 = arith.constant 16 : i32
      %mul3A_265 = arith.muli %scan3A_17, %mul3A_264 : i32
      %add3A_266 = arith.constant 14 : i32
      %add3A_267 = arith.addi %mul3A_265, %add3A_266 : i32
      %swap3A_268 = arith.index_cast %add3A_267 : i32 to index
      %swap3A_269 = memref.load %arg12[%swap3A_268] : memref<512xi32, #tpu.memory_space<smem>>
      memref.store %convert_element_type3A_263, %arg12[%swap3A_268] : memref<512xi32, #tpu.memory_space<smem>>
      %eq3A_270 = arith.constant 15 : i32
      %eq3A_271 = vector.broadcast %eq3A_270 : i32 to vector<16xi32>
      %eq3A_272 = arith.cmpi eq, %iota3A, %eq3A_271 : vector<16xi32>
      %jit3A_273 = arith.constant 0.000000e+00 : f32
      %broadcast_in_dim3A_274 = vector.broadcast %jit3A_273 : f32 to vector<16xf32>
      %select_n3A_275 = arith.select %eq3A_272, %convert_element_type3A, %broadcast_in_dim3A_274 : vector<16xi1>, vector<16xf32>
      %reduce_sum3A_276 = arith.constant true
      %reduce_sum3A_277 = vector.broadcast %reduce_sum3A_276 : i1 to vector<16xi1>
      %reduce_sum3A_278 = tpu.scan <sum>, %select_n3A_275 masked %reduce_sum3A_277 : vector<16xf32>, vector<16xi1> -> vector<16xf32>
      %reduce_sum3A_279 = vector.extract %reduce_sum3A_278[15] : f32 from vector<16xf32>
      %convert_element_type3A_280 = arith.fptosi %reduce_sum3A_279 : f32 to i32
      %mul3A_281 = arith.constant 16 : i32
      %mul3A_282 = arith.muli %scan3A_17, %mul3A_281 : i32
      %add3A_283 = arith.constant 15 : i32
      %add3A_284 = arith.addi %mul3A_282, %add3A_283 : i32
      %swap3A_285 = arith.index_cast %add3A_284 : i32 to index
      %swap3A_286 = memref.load %arg12[%swap3A_285] : memref<512xi32, #tpu.memory_space<smem>>
      memref.store %convert_element_type3A_280, %arg12[%swap3A_285] : memref<512xi32, #tpu.memory_space<smem>>
    }
    %scan3A_6 = arith.constant 32 : i32
    "tpu.region"() ({
      %run_scoped3A = tpu.sem_alloc : memref<!tpu.dma_semaphore, #tpu.memory_space<semaphore_mem>>
      %dma_start3A = tpu.memref_slice %arg3[%mul3A_2] : memref<16384xi32, #tpu.memory_space<hbm>> -> memref<512xi32, #tpu.memory_space<hbm>>
      %dma_start3A_17 = tpu.memref_slice %arg3[%mul3A_2] : memref<16384xi32, #tpu.memory_space<hbm>> -> memref<512xi32, #tpu.memory_space<hbm>>
      tpu.enqueue_dma source(%dma_start3A_17 : memref<512xi32, #tpu.memory_space<hbm>>) target(%arg14 : memref<512xi32, #tpu.memory_space<vmem>>) target_semaphore(%run_scoped3A : memref<!tpu.dma_semaphore, #tpu.memory_space<semaphore_mem>>)
      %dma_wait3A = tpu.memref_slice %arg3[%mul3A_2] : memref<16384xi32, #tpu.memory_space<hbm>> -> memref<512xi32, #tpu.memory_space<hbm>>
      %dma_wait3A_18 = tpu.memref_slice %arg3[%mul3A_2] : memref<16384xi32, #tpu.memory_space<hbm>> -> memref<512xi32, #tpu.memory_space<hbm>>
      tpu.wait_dma2 semaphore(%run_scoped3A : memref<!tpu.dma_semaphore, #tpu.memory_space<semaphore_mem>>) src(%dma_wait3A_18 : memref<512xi32, #tpu.memory_space<hbm>>) dst(%arg14 : memref<512xi32, #tpu.memory_space<vmem>>)
      tpu.yield
    }) : () -> ()
    %scan3A_7 = arith.constant 0 : i32
    %scan3A_8 = arith.constant 32 : i32
    %scan3A_9 = arith.addi %scan3A_7, %scan3A_8 : i32
    %scan3A_10 = arith.constant 1 : i32
    scf.for %scan3A_17 = %scan3A_7 to %scan3A_9 step %scan3A_10  : i32 {
      %mul3A_18 = arith.constant 16 : i32
      %mul3A_19 = arith.muli %scan3A_17, %mul3A_18 : i32
      %get3A = arith.index_cast %mul3A_19 : i32 to index
      %get3A_20 = tpu.vector_load %arg14[%get3A] {strides = array<i32>} : memref<512xi32, #tpu.memory_space<vmem>>, vector<16xi32>,
      %convert_element_type3A = arith.sitofp %get3A_20 : vector<16xi32> to vector<16xf32>
      %eq3A = arith.constant 0 : i32
      %eq3A_21 = vector.broadcast %eq3A : i32 to vector<16xi32>
      %eq3A_22 = arith.cmpi eq, %iota3A, %eq3A_21 : vector<16xi32>
      %jit3A = arith.constant 0.000000e+00 : f32
      %broadcast_in_dim3A = vector.broadcast %jit3A : f32 to vector<16xf32>
      %select_n3A = arith.select %eq3A_22, %convert_element_type3A, %broadcast_in_dim3A : vector<16xi1>, vector<16xf32>
      %reduce_sum3A = arith.constant true
      %reduce_sum3A_23 = vector.broadcast %reduce_sum3A : i1 to vector<16xi1>
      %reduce_sum3A_24 = tpu.scan <sum>, %select_n3A masked %reduce_sum3A_23 : vector<16xf32>, vector<16xi1> -> vector<16xf32>
      %reduce_sum3A_25 = vector.extract %reduce_sum3A_24[15] : f32 from vector<16xf32>
      %convert_element_type3A_26 = arith.fptosi %reduce_sum3A_25 : f32 to i32
      %mul3A_27 = arith.constant 16 : i32
      %mul3A_28 = arith.muli %scan3A_17, %mul3A_27 : i32
      %add3A_29 = arith.constant 0 : i32
      %add3A_30 = arith.addi %mul3A_28, %add3A_29 : i32
      %swap3A = arith.index_cast %add3A_30 : i32 to index
      %swap3A_31 = memref.load %arg13[%swap3A] : memref<512xi32, #tpu.memory_space<smem>>
      memref.store %convert_element_type3A_26, %arg13[%swap3A] : memref<512xi32, #tpu.memory_space<smem>>
      %eq3A_32 = arith.constant 1 : i32
      %eq3A_33 = vector.broadcast %eq3A_32 : i32 to vector<16xi32>
      %eq3A_34 = arith.cmpi eq, %iota3A, %eq3A_33 : vector<16xi32>
      %jit3A_35 = arith.constant 0.000000e+00 : f32
      %broadcast_in_dim3A_36 = vector.broadcast %jit3A_35 : f32 to vector<16xf32>
      %select_n3A_37 = arith.select %eq3A_34, %convert_element_type3A, %broadcast_in_dim3A_36 : vector<16xi1>, vector<16xf32>
      %reduce_sum3A_38 = arith.constant true
      %reduce_sum3A_39 = vector.broadcast %reduce_sum3A_38 : i1 to vector<16xi1>
      %reduce_sum3A_40 = tpu.scan <sum>, %select_n3A_37 masked %reduce_sum3A_39 : vector<16xf32>, vector<16xi1> -> vector<16xf32>
      %reduce_sum3A_41 = vector.extract %reduce_sum3A_40[15] : f32 from vector<16xf32>
      %convert_element_type3A_42 = arith.fptosi %reduce_sum3A_41 : f32 to i32
      %mul3A_43 = arith.constant 16 : i32
      %mul3A_44 = arith.muli %scan3A_17, %mul3A_43 : i32
      %add3A_45 = arith.constant 1 : i32
      %add3A_46 = arith.addi %mul3A_44, %add3A_45 : i32
      %swap3A_47 = arith.index_cast %add3A_46 : i32 to index
      %swap3A_48 = memref.load %arg13[%swap3A_47] : memref<512xi32, #tpu.memory_space<smem>>
      memref.store %convert_element_type3A_42, %arg13[%swap3A_47] : memref<512xi32, #tpu.memory_space<smem>>
      %eq3A_49 = arith.constant 2 : i32
      %eq3A_50 = vector.broadcast %eq3A_49 : i32 to vector<16xi32>
      %eq3A_51 = arith.cmpi eq, %iota3A, %eq3A_50 : vector<16xi32>
      %jit3A_52 = arith.constant 0.000000e+00 : f32
      %broadcast_in_dim3A_53 = vector.broadcast %jit3A_52 : f32 to vector<16xf32>
      %select_n3A_54 = arith.select %eq3A_51, %convert_element_type3A, %broadcast_in_dim3A_53 : vector<16xi1>, vector<16xf32>
      %reduce_sum3A_55 = arith.constant true
      %reduce_sum3A_56 = vector.broadcast %reduce_sum3A_55 : i1 to vector<16xi1>
      %reduce_sum3A_57 = tpu.scan <sum>, %select_n3A_54 masked %reduce_sum3A_56 : vector<16xf32>, vector<16xi1> -> vector<16xf32>
      %reduce_sum3A_58 = vector.extract %reduce_sum3A_57[15] : f32 from vector<16xf32>
      %convert_element_type3A_59 = arith.fptosi %reduce_sum3A_58 : f32 to i32
      %mul3A_60 = arith.constant 16 : i32
      %mul3A_61 = arith.muli %scan3A_17, %mul3A_60 : i32
      %add3A_62 = arith.constant 2 : i32
      %add3A_63 = arith.addi %mul3A_61, %add3A_62 : i32
      %swap3A_64 = arith.index_cast %add3A_63 : i32 to index
      %swap3A_65 = memref.load %arg13[%swap3A_64] : memref<512xi32, #tpu.memory_space<smem>>
      memref.store %convert_element_type3A_59, %arg13[%swap3A_64] : memref<512xi32, #tpu.memory_space<smem>>
      %eq3A_66 = arith.constant 3 : i32
      %eq3A_67 = vector.broadcast %eq3A_66 : i32 to vector<16xi32>
      %eq3A_68 = arith.cmpi eq, %iota3A, %eq3A_67 : vector<16xi32>
      %jit3A_69 = arith.constant 0.000000e+00 : f32
      %broadcast_in_dim3A_70 = vector.broadcast %jit3A_69 : f32 to vector<16xf32>
      %select_n3A_71 = arith.select %eq3A_68, %convert_element_type3A, %broadcast_in_dim3A_70 : vector<16xi1>, vector<16xf32>
      %reduce_sum3A_72 = arith.constant true
      %reduce_sum3A_73 = vector.broadcast %reduce_sum3A_72 : i1 to vector<16xi1>
      %reduce_sum3A_74 = tpu.scan <sum>, %select_n3A_71 masked %reduce_sum3A_73 : vector<16xf32>, vector<16xi1> -> vector<16xf32>
      %reduce_sum3A_75 = vector.extract %reduce_sum3A_74[15] : f32 from vector<16xf32>
      %convert_element_type3A_76 = arith.fptosi %reduce_sum3A_75 : f32 to i32
      %mul3A_77 = arith.constant 16 : i32
      %mul3A_78 = arith.muli %scan3A_17, %mul3A_77 : i32
      %add3A_79 = arith.constant 3 : i32
      %add3A_80 = arith.addi %mul3A_78, %add3A_79 : i32
      %swap3A_81 = arith.index_cast %add3A_80 : i32 to index
      %swap3A_82 = memref.load %arg13[%swap3A_81] : memref<512xi32, #tpu.memory_space<smem>>
      memref.store %convert_element_type3A_76, %arg13[%swap3A_81] : memref<512xi32, #tpu.memory_space<smem>>
      %eq3A_83 = arith.constant 4 : i32
      %eq3A_84 = vector.broadcast %eq3A_83 : i32 to vector<16xi32>
      %eq3A_85 = arith.cmpi eq, %iota3A, %eq3A_84 : vector<16xi32>
      %jit3A_86 = arith.constant 0.000000e+00 : f32
      %broadcast_in_dim3A_87 = vector.broadcast %jit3A_86 : f32 to vector<16xf32>
      %select_n3A_88 = arith.select %eq3A_85, %convert_element_type3A, %broadcast_in_dim3A_87 : vector<16xi1>, vector<16xf32>
      %reduce_sum3A_89 = arith.constant true
      %reduce_sum3A_90 = vector.broadcast %reduce_sum3A_89 : i1 to vector<16xi1>
      %reduce_sum3A_91 = tpu.scan <sum>, %select_n3A_88 masked %reduce_sum3A_90 : vector<16xf32>, vector<16xi1> -> vector<16xf32>
      %reduce_sum3A_92 = vector.extract %reduce_sum3A_91[15] : f32 from vector<16xf32>
      %convert_element_type3A_93 = arith.fptosi %reduce_sum3A_92 : f32 to i32
      %mul3A_94 = arith.constant 16 : i32
      %mul3A_95 = arith.muli %scan3A_17, %mul3A_94 : i32
      %add3A_96 = arith.constant 4 : i32
      %add3A_97 = arith.addi %mul3A_95, %add3A_96 : i32
      %swap3A_98 = arith.index_cast %add3A_97 : i32 to index
      %swap3A_99 = memref.load %arg13[%swap3A_98] : memref<512xi32, #tpu.memory_space<smem>>
      memref.store %convert_element_type3A_93, %arg13[%swap3A_98] : memref<512xi32, #tpu.memory_space<smem>>
      %eq3A_100 = arith.constant 5 : i32
      %eq3A_101 = vector.broadcast %eq3A_100 : i32 to vector<16xi32>
      %eq3A_102 = arith.cmpi eq, %iota3A, %eq3A_101 : vector<16xi32>
      %jit3A_103 = arith.constant 0.000000e+00 : f32
      %broadcast_in_dim3A_104 = vector.broadcast %jit3A_103 : f32 to vector<16xf32>
      %select_n3A_105 = arith.select %eq3A_102, %convert_element_type3A, %broadcast_in_dim3A_104 : vector<16xi1>, vector<16xf32>
      %reduce_sum3A_106 = arith.constant true
      %reduce_sum3A_107 = vector.broadcast %reduce_sum3A_106 : i1 to vector<16xi1>
      %reduce_sum3A_108 = tpu.scan <sum>, %select_n3A_105 masked %reduce_sum3A_107 : vector<16xf32>, vector<16xi1> -> vector<16xf32>
      %reduce_sum3A_109 = vector.extract %reduce_sum3A_108[15] : f32 from vector<16xf32>
      %convert_element_type3A_110 = arith.fptosi %reduce_sum3A_109 : f32 to i32
      %mul3A_111 = arith.constant 16 : i32
      %mul3A_112 = arith.muli %scan3A_17, %mul3A_111 : i32
      %add3A_113 = arith.constant 5 : i32
      %add3A_114 = arith.addi %mul3A_112, %add3A_113 : i32
      %swap3A_115 = arith.index_cast %add3A_114 : i32 to index
      %swap3A_116 = memref.load %arg13[%swap3A_115] : memref<512xi32, #tpu.memory_space<smem>>
      memref.store %convert_element_type3A_110, %arg13[%swap3A_115] : memref<512xi32, #tpu.memory_space<smem>>
      %eq3A_117 = arith.constant 6 : i32
      %eq3A_118 = vector.broadcast %eq3A_117 : i32 to vector<16xi32>
      %eq3A_119 = arith.cmpi eq, %iota3A, %eq3A_118 : vector<16xi32>
      %jit3A_120 = arith.constant 0.000000e+00 : f32
      %broadcast_in_dim3A_121 = vector.broadcast %jit3A_120 : f32 to vector<16xf32>
      %select_n3A_122 = arith.select %eq3A_119, %convert_element_type3A, %broadcast_in_dim3A_121 : vector<16xi1>, vector<16xf32>
      %reduce_sum3A_123 = arith.constant true
      %reduce_sum3A_124 = vector.broadcast %reduce_sum3A_123 : i1 to vector<16xi1>
      %reduce_sum3A_125 = tpu.scan <sum>, %select_n3A_122 masked %reduce_sum3A_124 : vector<16xf32>, vector<16xi1> -> vector<16xf32>
      %reduce_sum3A_126 = vector.extract %reduce_sum3A_125[15] : f32 from vector<16xf32>
      %convert_element_type3A_127 = arith.fptosi %reduce_sum3A_126 : f32 to i32
      %mul3A_128 = arith.constant 16 : i32
      %mul3A_129 = arith.muli %scan3A_17, %mul3A_128 : i32
      %add3A_130 = arith.constant 6 : i32
      %add3A_131 = arith.addi %mul3A_129, %add3A_130 : i32
      %swap3A_132 = arith.index_cast %add3A_131 : i32 to index
      %swap3A_133 = memref.load %arg13[%swap3A_132] : memref<512xi32, #tpu.memory_space<smem>>
      memref.store %convert_element_type3A_127, %arg13[%swap3A_132] : memref<512xi32, #tpu.memory_space<smem>>
      %eq3A_134 = arith.constant 7 : i32
      %eq3A_135 = vector.broadcast %eq3A_134 : i32 to vector<16xi32>
      %eq3A_136 = arith.cmpi eq, %iota3A, %eq3A_135 : vector<16xi32>
      %jit3A_137 = arith.constant 0.000000e+00 : f32
      %broadcast_in_dim3A_138 = vector.broadcast %jit3A_137 : f32 to vector<16xf32>
      %select_n3A_139 = arith.select %eq3A_136, %convert_element_type3A, %broadcast_in_dim3A_138 : vector<16xi1>, vector<16xf32>
      %reduce_sum3A_140 = arith.constant true
      %reduce_sum3A_141 = vector.broadcast %reduce_sum3A_140 : i1 to vector<16xi1>
      %reduce_sum3A_142 = tpu.scan <sum>, %select_n3A_139 masked %reduce_sum3A_141 : vector<16xf32>, vector<16xi1> -> vector<16xf32>
      %reduce_sum3A_143 = vector.extract %reduce_sum3A_142[15] : f32 from vector<16xf32>
      %convert_element_type3A_144 = arith.fptosi %reduce_sum3A_143 : f32 to i32
      %mul3A_145 = arith.constant 16 : i32
      %mul3A_146 = arith.muli %scan3A_17, %mul3A_145 : i32
      %add3A_147 = arith.constant 7 : i32
      %add3A_148 = arith.addi %mul3A_146, %add3A_147 : i32
      %swap3A_149 = arith.index_cast %add3A_148 : i32 to index
      %swap3A_150 = memref.load %arg13[%swap3A_149] : memref<512xi32, #tpu.memory_space<smem>>
      memref.store %convert_element_type3A_144, %arg13[%swap3A_149] : memref<512xi32, #tpu.memory_space<smem>>
      %eq3A_151 = arith.constant 8 : i32
      %eq3A_152 = vector.broadcast %eq3A_151 : i32 to vector<16xi32>
      %eq3A_153 = arith.cmpi eq, %iota3A, %eq3A_152 : vector<16xi32>
      %jit3A_154 = arith.constant 0.000000e+00 : f32
      %broadcast_in_dim3A_155 = vector.broadcast %jit3A_154 : f32 to vector<16xf32>
      %select_n3A_156 = arith.select %eq3A_153, %convert_element_type3A, %broadcast_in_dim3A_155 : vector<16xi1>, vector<16xf32>
      %reduce_sum3A_157 = arith.constant true
      %reduce_sum3A_158 = vector.broadcast %reduce_sum3A_157 : i1 to vector<16xi1>
      %reduce_sum3A_159 = tpu.scan <sum>, %select_n3A_156 masked %reduce_sum3A_158 : vector<16xf32>, vector<16xi1> -> vector<16xf32>
      %reduce_sum3A_160 = vector.extract %reduce_sum3A_159[15] : f32 from vector<16xf32>
      %convert_element_type3A_161 = arith.fptosi %reduce_sum3A_160 : f32 to i32
      %mul3A_162 = arith.constant 16 : i32
      %mul3A_163 = arith.muli %scan3A_17, %mul3A_162 : i32
      %add3A_164 = arith.constant 8 : i32
      %add3A_165 = arith.addi %mul3A_163, %add3A_164 : i32
      %swap3A_166 = arith.index_cast %add3A_165 : i32 to index
      %swap3A_167 = memref.load %arg13[%swap3A_166] : memref<512xi32, #tpu.memory_space<smem>>
      memref.store %convert_element_type3A_161, %arg13[%swap3A_166] : memref<512xi32, #tpu.memory_space<smem>>
      %eq3A_168 = arith.constant 9 : i32
      %eq3A_169 = vector.broadcast %eq3A_168 : i32 to vector<16xi32>
      %eq3A_170 = arith.cmpi eq, %iota3A, %eq3A_169 : vector<16xi32>
      %jit3A_171 = arith.constant 0.000000e+00 : f32
      %broadcast_in_dim3A_172 = vector.broadcast %jit3A_171 : f32 to vector<16xf32>
      %select_n3A_173 = arith.select %eq3A_170, %convert_element_type3A, %broadcast_in_dim3A_172 : vector<16xi1>, vector<16xf32>
      %reduce_sum3A_174 = arith.constant true
      %reduce_sum3A_175 = vector.broadcast %reduce_sum3A_174 : i1 to vector<16xi1>
      %reduce_sum3A_176 = tpu.scan <sum>, %select_n3A_173 masked %reduce_sum3A_175 : vector<16xf32>, vector<16xi1> -> vector<16xf32>
      %reduce_sum3A_177 = vector.extract %reduce_sum3A_176[15] : f32 from vector<16xf32>
      %convert_element_type3A_178 = arith.fptosi %reduce_sum3A_177 : f32 to i32
      %mul3A_179 = arith.constant 16 : i32
      %mul3A_180 = arith.muli %scan3A_17, %mul3A_179 : i32
      %add3A_181 = arith.constant 9 : i32
      %add3A_182 = arith.addi %mul3A_180, %add3A_181 : i32
      %swap3A_183 = arith.index_cast %add3A_182 : i32 to index
      %swap3A_184 = memref.load %arg13[%swap3A_183] : memref<512xi32, #tpu.memory_space<smem>>
      memref.store %convert_element_type3A_178, %arg13[%swap3A_183] : memref<512xi32, #tpu.memory_space<smem>>
      %eq3A_185 = arith.constant 10 : i32
      %eq3A_186 = vector.broadcast %eq3A_185 : i32 to vector<16xi32>
      %eq3A_187 = arith.cmpi eq, %iota3A, %eq3A_186 : vector<16xi32>
      %jit3A_188 = arith.constant 0.000000e+00 : f32
      %broadcast_in_dim3A_189 = vector.broadcast %jit3A_188 : f32 to vector<16xf32>
      %select_n3A_190 = arith.select %eq3A_187, %convert_element_type3A, %broadcast_in_dim3A_189 : vector<16xi1>, vector<16xf32>
      %reduce_sum3A_191 = arith.constant true
      %reduce_sum3A_192 = vector.broadcast %reduce_sum3A_191 : i1 to vector<16xi1>
      %reduce_sum3A_193 = tpu.scan <sum>, %select_n3A_190 masked %reduce_sum3A_192 : vector<16xf32>, vector<16xi1> -> vector<16xf32>
      %reduce_sum3A_194 = vector.extract %reduce_sum3A_193[15] : f32 from vector<16xf32>
      %convert_element_type3A_195 = arith.fptosi %reduce_sum3A_194 : f32 to i32
      %mul3A_196 = arith.constant 16 : i32
      %mul3A_197 = arith.muli %scan3A_17, %mul3A_196 : i32
      %add3A_198 = arith.constant 10 : i32
      %add3A_199 = arith.addi %mul3A_197, %add3A_198 : i32
      %swap3A_200 = arith.index_cast %add3A_199 : i32 to index
      %swap3A_201 = memref.load %arg13[%swap3A_200] : memref<512xi32, #tpu.memory_space<smem>>
      memref.store %convert_element_type3A_195, %arg13[%swap3A_200] : memref<512xi32, #tpu.memory_space<smem>>
      %eq3A_202 = arith.constant 11 : i32
      %eq3A_203 = vector.broadcast %eq3A_202 : i32 to vector<16xi32>
      %eq3A_204 = arith.cmpi eq, %iota3A, %eq3A_203 : vector<16xi32>
      %jit3A_205 = arith.constant 0.000000e+00 : f32
      %broadcast_in_dim3A_206 = vector.broadcast %jit3A_205 : f32 to vector<16xf32>
      %select_n3A_207 = arith.select %eq3A_204, %convert_element_type3A, %broadcast_in_dim3A_206 : vector<16xi1>, vector<16xf32>
      %reduce_sum3A_208 = arith.constant true
      %reduce_sum3A_209 = vector.broadcast %reduce_sum3A_208 : i1 to vector<16xi1>
      %reduce_sum3A_210 = tpu.scan <sum>, %select_n3A_207 masked %reduce_sum3A_209 : vector<16xf32>, vector<16xi1> -> vector<16xf32>
      %reduce_sum3A_211 = vector.extract %reduce_sum3A_210[15] : f32 from vector<16xf32>
      %convert_element_type3A_212 = arith.fptosi %reduce_sum3A_211 : f32 to i32
      %mul3A_213 = arith.constant 16 : i32
      %mul3A_214 = arith.muli %scan3A_17, %mul3A_213 : i32
      %add3A_215 = arith.constant 11 : i32
      %add3A_216 = arith.addi %mul3A_214, %add3A_215 : i32
      %swap3A_217 = arith.index_cast %add3A_216 : i32 to index
      %swap3A_218 = memref.load %arg13[%swap3A_217] : memref<512xi32, #tpu.memory_space<smem>>
      memref.store %convert_element_type3A_212, %arg13[%swap3A_217] : memref<512xi32, #tpu.memory_space<smem>>
      %eq3A_219 = arith.constant 12 : i32
      %eq3A_220 = vector.broadcast %eq3A_219 : i32 to vector<16xi32>
      %eq3A_221 = arith.cmpi eq, %iota3A, %eq3A_220 : vector<16xi32>
      %jit3A_222 = arith.constant 0.000000e+00 : f32
      %broadcast_in_dim3A_223 = vector.broadcast %jit3A_222 : f32 to vector<16xf32>
      %select_n3A_224 = arith.select %eq3A_221, %convert_element_type3A, %broadcast_in_dim3A_223 : vector<16xi1>, vector<16xf32>
      %reduce_sum3A_225 = arith.constant true
      %reduce_sum3A_226 = vector.broadcast %reduce_sum3A_225 : i1 to vector<16xi1>
      %reduce_sum3A_227 = tpu.scan <sum>, %select_n3A_224 masked %reduce_sum3A_226 : vector<16xf32>, vector<16xi1> -> vector<16xf32>
      %reduce_sum3A_228 = vector.extract %reduce_sum3A_227[15] : f32 from vector<16xf32>
      %convert_element_type3A_229 = arith.fptosi %reduce_sum3A_228 : f32 to i32
      %mul3A_230 = arith.constant 16 : i32
      %mul3A_231 = arith.muli %scan3A_17, %mul3A_230 : i32
      %add3A_232 = arith.constant 12 : i32
      %add3A_233 = arith.addi %mul3A_231, %add3A_232 : i32
      %swap3A_234 = arith.index_cast %add3A_233 : i32 to index
      %swap3A_235 = memref.load %arg13[%swap3A_234] : memref<512xi32, #tpu.memory_space<smem>>
      memref.store %convert_element_type3A_229, %arg13[%swap3A_234] : memref<512xi32, #tpu.memory_space<smem>>
      %eq3A_236 = arith.constant 13 : i32
      %eq3A_237 = vector.broadcast %eq3A_236 : i32 to vector<16xi32>
      %eq3A_238 = arith.cmpi eq, %iota3A, %eq3A_237 : vector<16xi32>
      %jit3A_239 = arith.constant 0.000000e+00 : f32
      %broadcast_in_dim3A_240 = vector.broadcast %jit3A_239 : f32 to vector<16xf32>
      %select_n3A_241 = arith.select %eq3A_238, %convert_element_type3A, %broadcast_in_dim3A_240 : vector<16xi1>, vector<16xf32>
      %reduce_sum3A_242 = arith.constant true
      %reduce_sum3A_243 = vector.broadcast %reduce_sum3A_242 : i1 to vector<16xi1>
      %reduce_sum3A_244 = tpu.scan <sum>, %select_n3A_241 masked %reduce_sum3A_243 : vector<16xf32>, vector<16xi1> -> vector<16xf32>
      %reduce_sum3A_245 = vector.extract %reduce_sum3A_244[15] : f32 from vector<16xf32>
      %convert_element_type3A_246 = arith.fptosi %reduce_sum3A_245 : f32 to i32
      %mul3A_247 = arith.constant 16 : i32
      %mul3A_248 = arith.muli %scan3A_17, %mul3A_247 : i32
      %add3A_249 = arith.constant 13 : i32
      %add3A_250 = arith.addi %mul3A_248, %add3A_249 : i32
      %swap3A_251 = arith.index_cast %add3A_250 : i32 to index
      %swap3A_252 = memref.load %arg13[%swap3A_251] : memref<512xi32, #tpu.memory_space<smem>>
      memref.store %convert_element_type3A_246, %arg13[%swap3A_251] : memref<512xi32, #tpu.memory_space<smem>>
      %eq3A_253 = arith.constant 14 : i32
      %eq3A_254 = vector.broadcast %eq3A_253 : i32 to vector<16xi32>
      %eq3A_255 = arith.cmpi eq, %iota3A, %eq3A_254 : vector<16xi32>
      %jit3A_256 = arith.constant 0.000000e+00 : f32
      %broadcast_in_dim3A_257 = vector.broadcast %jit3A_256 : f32 to vector<16xf32>
      %select_n3A_258 = arith.select %eq3A_255, %convert_element_type3A, %broadcast_in_dim3A_257 : vector<16xi1>, vector<16xf32>
      %reduce_sum3A_259 = arith.constant true
      %reduce_sum3A_260 = vector.broadcast %reduce_sum3A_259 : i1 to vector<16xi1>
      %reduce_sum3A_261 = tpu.scan <sum>, %select_n3A_258 masked %reduce_sum3A_260 : vector<16xf32>, vector<16xi1> -> vector<16xf32>
      %reduce_sum3A_262 = vector.extract %reduce_sum3A_261[15] : f32 from vector<16xf32>
      %convert_element_type3A_263 = arith.fptosi %reduce_sum3A_262 : f32 to i32
      %mul3A_264 = arith.constant 16 : i32
      %mul3A_265 = arith.muli %scan3A_17, %mul3A_264 : i32
      %add3A_266 = arith.constant 14 : i32
      %add3A_267 = arith.addi %mul3A_265, %add3A_266 : i32
      %swap3A_268 = arith.index_cast %add3A_267 : i32 to index
      %swap3A_269 = memref.load %arg13[%swap3A_268] : memref<512xi32, #tpu.memory_space<smem>>
      memref.store %convert_element_type3A_263, %arg13[%swap3A_268] : memref<512xi32, #tpu.memory_space<smem>>
      %eq3A_270 = arith.constant 15 : i32
      %eq3A_271 = vector.broadcast %eq3A_270 : i32 to vector<16xi32>
      %eq3A_272 = arith.cmpi eq, %iota3A, %eq3A_271 : vector<16xi32>
      %jit3A_273 = arith.constant 0.000000e+00 : f32
      %broadcast_in_dim3A_274 = vector.broadcast %jit3A_273 : f32 to vector<16xf32>
      %select_n3A_275 = arith.select %eq3A_272, %convert_element_type3A, %broadcast_in_dim3A_274 : vector<16xi1>, vector<16xf32>
      %reduce_sum3A_276 = arith.constant true
      %reduce_sum3A_277 = vector.broadcast %reduce_sum3A_276 : i1 to vector<16xi1>
      %reduce_sum3A_278 = tpu.scan <sum>, %select_n3A_275 masked %reduce_sum3A_277 : vector<16xf32>, vector<16xi1> -> vector<16xf32>
      %reduce_sum3A_279 = vector.extract %reduce_sum3A_278[15] : f32 from vector<16xf32>
      %convert_element_type3A_280 = arith.fptosi %reduce_sum3A_279 : f32 to i32
      %mul3A_281 = arith.constant 16 : i32
      %mul3A_282 = arith.muli %scan3A_17, %mul3A_281 : i32
      %add3A_283 = arith.constant 15 : i32
      %add3A_284 = arith.addi %mul3A_282, %add3A_283 : i32
      %swap3A_285 = arith.index_cast %add3A_284 : i32 to index
      %swap3A_286 = memref.load %arg13[%swap3A_285] : memref<512xi32, #tpu.memory_space<smem>>
      memref.store %convert_element_type3A_280, %arg13[%swap3A_285] : memref<512xi32, #tpu.memory_space<smem>>
    }
    %scan3A_11 = arith.constant 32 : i32
    %scan3A_12 = arith.constant 0 : i32
    %scan3A_13 = arith.constant 32 : i32
    %scan3A_14 = arith.addi %scan3A_12, %scan3A_13 : i32
    %scan3A_15 = arith.constant 1 : i32
    scf.for %scan3A_17 = %scan3A_12 to %scan3A_14 step %scan3A_15  : i32 {
      %mul3A_18 = arith.constant 16 : i32
      %mul3A_19 = arith.muli %scan3A_17, %mul3A_18 : i32
      %add3A_20 = arith.addi %mul3A_2, %mul3A_19 : i32
      %scan3A_21 = arith.constant 0 : i32
      %scan3A_22 = arith.constant 16 : i32
      %scan3A_23 = arith.addi %scan3A_21, %scan3A_22 : i32
      %scan3A_24 = arith.constant 1 : i32
      scf.for %scan3A_85 = %scan3A_21 to %scan3A_23 step %scan3A_24  : i32 {
        %mul3A_86 = arith.constant 16 : i32
        %mul3A_87 = arith.muli %scan3A_17, %mul3A_86 : i32
        %add3A_88 = arith.addi %mul3A_87, %scan3A_85 : i32
        %get3A = arith.index_cast %add3A_88 : i32 to index
        %get3A_89 = memref.load %arg12[%get3A] : memref<512xi32, #tpu.memory_space<smem>>
        %shift_right_arithmetic3A = arith.constant 3 : i32
        %shift_right_arithmetic3A_90 = arith.shrsi %get3A_89, %shift_right_arithmetic3A : i32
        %dma_start3A_91 = arith.constant 0 : i32
        %dma_start3A_92 = arith.constant 0 : i32
        %dma_start3A_93 = tpu.memref_slice %arg15[%scan3A_85, %dma_start3A_91, %dma_start3A_92] : memref<16x8x32xf32, #tpu.memory_space<vmem>> -> memref<1x8x32xf32, #tpu.memory_space<vmem>>
        %dma_start3A_94 = tpu.memref_squeeze %dma_start3A_93 : memref<1x8x32xf32, #tpu.memory_space<vmem>> -> memref<8x32xf32, #tpu.memory_space<vmem>>
        %dma_start3A_95 = arith.constant 0 : i32
        %dma_start3A_96 = arith.constant 0 : i32
        %dma_start3A_97 = tpu.memref_slice %arg4[%shift_right_arithmetic3A_90, %dma_start3A_95, %dma_start3A_96] : memref<125000x8x32xf32, #tpu.memory_space<hbm>> -> memref<1x8x32xf32, #tpu.memory_space<hbm>>
        %dma_start3A_98 = tpu.memref_squeeze %dma_start3A_97 : memref<1x8x32xf32, #tpu.memory_space<hbm>> -> memref<8x32xf32, #tpu.memory_space<hbm>>
        %dma_start3A_99 = arith.constant 0 : i32
        %dma_start3A_100 = arith.constant 0 : i32
        %dma_start3A_101 = tpu.memref_slice %arg15[%scan3A_85, %dma_start3A_99, %dma_start3A_100] : memref<16x8x32xf32, #tpu.memory_space<vmem>> -> memref<1x8x32xf32, #tpu.memory_space<vmem>>
        %dma_start3A_102 = tpu.memref_squeeze %dma_start3A_101 : memref<1x8x32xf32, #tpu.memory_space<vmem>> -> memref<8x32xf32, #tpu.memory_space<vmem>>
        %dma_start3A_103 = arith.constant 0 : i32
        %dma_start3A_104 = arith.constant 0 : i32
        %dma_start3A_105 = tpu.memref_slice %arg4[%shift_right_arithmetic3A_90, %dma_start3A_103, %dma_start3A_104] : memref<125000x8x32xf32, #tpu.memory_space<hbm>> -> memref<1x8x32xf32, #tpu.memory_space<hbm>>
        %dma_start3A_106 = tpu.memref_squeeze %dma_start3A_105 : memref<1x8x32xf32, #tpu.memory_space<hbm>> -> memref<8x32xf32, #tpu.memory_space<hbm>>
        tpu.enqueue_dma source(%dma_start3A_106 : memref<8x32xf32, #tpu.memory_space<hbm>>) target(%dma_start3A_102 : memref<8x32xf32, #tpu.memory_space<vmem>>) target_semaphore(%arg23 : memref<!tpu.dma_semaphore, #tpu.memory_space<semaphore_mem>>)
        %mul3A_107 = arith.constant 16 : i32
        %mul3A_108 = arith.muli %scan3A_17, %mul3A_107 : i32
        %add3A_109 = arith.addi %mul3A_108, %scan3A_85 : i32
        %get3A_110 = arith.index_cast %add3A_109 : i32 to index
        %get3A_111 = memref.load %arg13[%get3A_110] : memref<512xi32, #tpu.memory_space<smem>>
        %shift_right_arithmetic3A_112 = arith.constant 3 : i32
        %shift_right_arithmetic3A_113 = arith.shrsi %get3A_111, %shift_right_arithmetic3A_112 : i32
        %dma_start3A_114 = arith.constant 0 : i32
        %dma_start3A_115 = arith.constant 0 : i32
        %dma_start3A_116 = tpu.memref_slice %arg16[%scan3A_85, %dma_start3A_114, %dma_start3A_115] : memref<16x8x32xf32, #tpu.memory_space<vmem>> -> memref<1x8x32xf32, #tpu.memory_space<vmem>>
        %dma_start3A_117 = tpu.memref_squeeze %dma_start3A_116 : memref<1x8x32xf32, #tpu.memory_space<vmem>> -> memref<8x32xf32, #tpu.memory_space<vmem>>
        %dma_start3A_118 = arith.constant 0 : i32
        %dma_start3A_119 = arith.constant 0 : i32
        %dma_start3A_120 = tpu.memref_slice %arg5[%shift_right_arithmetic3A_113, %dma_start3A_118, %dma_start3A_119] : memref<125000x8x32xf32, #tpu.memory_space<hbm>> -> memref<1x8x32xf32, #tpu.memory_space<hbm>>
        %dma_start3A_121 = tpu.memref_squeeze %dma_start3A_120 : memref<1x8x32xf32, #tpu.memory_space<hbm>> -> memref<8x32xf32, #tpu.memory_space<hbm>>
        %dma_start3A_122 = arith.constant 0 : i32
        %dma_start3A_123 = arith.constant 0 : i32
        %dma_start3A_124 = tpu.memref_slice %arg16[%scan3A_85, %dma_start3A_122, %dma_start3A_123] : memref<16x8x32xf32, #tpu.memory_space<vmem>> -> memref<1x8x32xf32, #tpu.memory_space<vmem>>
        %dma_start3A_125 = tpu.memref_squeeze %dma_start3A_124 : memref<1x8x32xf32, #tpu.memory_space<vmem>> -> memref<8x32xf32, #tpu.memory_space<vmem>>
        %dma_start3A_126 = arith.constant 0 : i32
        %dma_start3A_127 = arith.constant 0 : i32
        %dma_start3A_128 = tpu.memref_slice %arg5[%shift_right_arithmetic3A_113, %dma_start3A_126, %dma_start3A_127] : memref<125000x8x32xf32, #tpu.memory_space<hbm>> -> memref<1x8x32xf32, #tpu.memory_space<hbm>>
        %dma_start3A_129 = tpu.memref_squeeze %dma_start3A_128 : memref<1x8x32xf32, #tpu.memory_space<hbm>> -> memref<8x32xf32, #tpu.memory_space<hbm>>
        tpu.enqueue_dma source(%dma_start3A_129 : memref<8x32xf32, #tpu.memory_space<hbm>>) target(%dma_start3A_125 : memref<8x32xf32, #tpu.memory_space<vmem>>) target_semaphore(%arg23 : memref<!tpu.dma_semaphore, #tpu.memory_space<semaphore_mem>>)
        %mul3A_130 = arith.constant 16 : i32
        %mul3A_131 = arith.muli %scan3A_17, %mul3A_130 : i32
        %add3A_132 = arith.addi %mul3A_131, %scan3A_85 : i32
        %get3A_133 = arith.index_cast %add3A_132 : i32 to index
        %get3A_134 = memref.load %arg12[%get3A_133] : memref<512xi32, #tpu.memory_space<smem>>
        %shift_right_arithmetic3A_135 = arith.constant 3 : i32
        %shift_right_arithmetic3A_136 = arith.shrsi %get3A_134, %shift_right_arithmetic3A_135 : i32
        %dma_start3A_137 = arith.constant 0 : i32
        %dma_start3A_138 = arith.constant 0 : i32
        %dma_start3A_139 = tpu.memref_slice %arg17[%scan3A_85, %dma_start3A_137, %dma_start3A_138] : memref<16x8x32xf32, #tpu.memory_space<vmem>> -> memref<1x8x32xf32, #tpu.memory_space<vmem>>
        %dma_start3A_140 = tpu.memref_squeeze %dma_start3A_139 : memref<1x8x32xf32, #tpu.memory_space<vmem>> -> memref<8x32xf32, #tpu.memory_space<vmem>>
        %dma_start3A_141 = arith.constant 0 : i32
        %dma_start3A_142 = arith.constant 0 : i32
        %dma_start3A_143 = tpu.memref_slice %arg6[%shift_right_arithmetic3A_136, %dma_start3A_141, %dma_start3A_142] : memref<125000x8x32xf32, #tpu.memory_space<hbm>> -> memref<1x8x32xf32, #tpu.memory_space<hbm>>
        %dma_start3A_144 = tpu.memref_squeeze %dma_start3A_143 : memref<1x8x32xf32, #tpu.memory_space<hbm>> -> memref<8x32xf32, #tpu.memory_space<hbm>>
        %dma_start3A_145 = arith.constant 0 : i32
        %dma_start3A_146 = arith.constant 0 : i32
        %dma_start3A_147 = tpu.memref_slice %arg17[%scan3A_85, %dma_start3A_145, %dma_start3A_146] : memref<16x8x32xf32, #tpu.memory_space<vmem>> -> memref<1x8x32xf32, #tpu.memory_space<vmem>>
        %dma_start3A_148 = tpu.memref_squeeze %dma_start3A_147 : memref<1x8x32xf32, #tpu.memory_space<vmem>> -> memref<8x32xf32, #tpu.memory_space<vmem>>
        %dma_start3A_149 = arith.constant 0 : i32
        %dma_start3A_150 = arith.constant 0 : i32
        %dma_start3A_151 = tpu.memref_slice %arg6[%shift_right_arithmetic3A_136, %dma_start3A_149, %dma_start3A_150] : memref<125000x8x32xf32, #tpu.memory_space<hbm>> -> memref<1x8x32xf32, #tpu.memory_space<hbm>>
        %dma_start3A_152 = tpu.memref_squeeze %dma_start3A_151 : memref<1x8x32xf32, #tpu.memory_space<hbm>> -> memref<8x32xf32, #tpu.memory_space<hbm>>
        tpu.enqueue_dma source(%dma_start3A_152 : memref<8x32xf32, #tpu.memory_space<hbm>>) target(%dma_start3A_148 : memref<8x32xf32, #tpu.memory_space<vmem>>) target_semaphore(%arg23 : memref<!tpu.dma_semaphore, #tpu.memory_space<semaphore_mem>>)
        %mul3A_153 = arith.constant 16 : i32
        %mul3A_154 = arith.muli %scan3A_17, %mul3A_153 : i32
        %add3A_155 = arith.addi %mul3A_154, %scan3A_85 : i32
        %get3A_156 = arith.index_cast %add3A_155 : i32 to index
        %get3A_157 = memref.load %arg13[%get3A_156] : memref<512xi32, #tpu.memory_space<smem>>
        %shift_right_arithmetic3A_158 = arith.constant 3 : i32
        %shift_right_arithmetic3A_159 = arith.shrsi %get3A_157, %shift_right_arithmetic3A_158 : i32
        %dma_start3A_160 = arith.constant 0 : i32
        %dma_start3A_161 = arith.constant 0 : i32
        %dma_start3A_162 = tpu.memref_slice %arg18[%scan3A_85, %dma_start3A_160, %dma_start3A_161] : memref<16x8x32xf32, #tpu.memory_space<vmem>> -> memref<1x8x32xf32, #tpu.memory_space<vmem>>
        %dma_start3A_163 = tpu.memref_squeeze %dma_start3A_162 : memref<1x8x32xf32, #tpu.memory_space<vmem>> -> memref<8x32xf32, #tpu.memory_space<vmem>>
        %dma_start3A_164 = arith.constant 0 : i32
        %dma_start3A_165 = arith.constant 0 : i32
        %dma_start3A_166 = tpu.memref_slice %arg7[%shift_right_arithmetic3A_159, %dma_start3A_164, %dma_start3A_165] : memref<125000x8x32xf32, #tpu.memory_space<hbm>> -> memref<1x8x32xf32, #tpu.memory_space<hbm>>
        %dma_start3A_167 = tpu.memref_squeeze %dma_start3A_166 : memref<1x8x32xf32, #tpu.memory_space<hbm>> -> memref<8x32xf32, #tpu.memory_space<hbm>>
        %dma_start3A_168 = arith.constant 0 : i32
        %dma_start3A_169 = arith.constant 0 : i32
        %dma_start3A_170 = tpu.memref_slice %arg18[%scan3A_85, %dma_start3A_168, %dma_start3A_169] : memref<16x8x32xf32, #tpu.memory_space<vmem>> -> memref<1x8x32xf32, #tpu.memory_space<vmem>>
        %dma_start3A_171 = tpu.memref_squeeze %dma_start3A_170 : memref<1x8x32xf32, #tpu.memory_space<vmem>> -> memref<8x32xf32, #tpu.memory_space<vmem>>
        %dma_start3A_172 = arith.constant 0 : i32
        %dma_start3A_173 = arith.constant 0 : i32
        %dma_start3A_174 = tpu.memref_slice %arg7[%shift_right_arithmetic3A_159, %dma_start3A_172, %dma_start3A_173] : memref<125000x8x32xf32, #tpu.memory_space<hbm>> -> memref<1x8x32xf32, #tpu.memory_space<hbm>>
        %dma_start3A_175 = tpu.memref_squeeze %dma_start3A_174 : memref<1x8x32xf32, #tpu.memory_space<hbm>> -> memref<8x32xf32, #tpu.memory_space<hbm>>
        tpu.enqueue_dma source(%dma_start3A_175 : memref<8x32xf32, #tpu.memory_space<hbm>>) target(%dma_start3A_171 : memref<8x32xf32, #tpu.memory_space<vmem>>) target_semaphore(%arg23 : memref<!tpu.dma_semaphore, #tpu.memory_space<semaphore_mem>>)
      }
      %scan3A_25 = arith.constant 16 : i32
      %dma_wait3A = arith.constant 0 : i32
      %dma_wait3A_26 = arith.constant 0 : i32
      %dma_wait3A_27 = arith.constant 0 : i32
      %dma_wait3A_28 = tpu.memref_slice %arg4[%dma_wait3A, %dma_wait3A_26, %dma_wait3A_27] : memref<125000x8x32xf32, #tpu.memory_space<hbm>> -> memref<16x8x32xf32, #tpu.memory_space<hbm>>
      %dma_wait3A_29 = arith.constant 0 : i32
      %dma_wait3A_30 = arith.constant 0 : i32
      %dma_wait3A_31 = arith.constant 0 : i32
      %dma_wait3A_32 = tpu.memref_slice %arg4[%dma_wait3A_29, %dma_wait3A_30, %dma_wait3A_31] : memref<125000x8x32xf32, #tpu.memory_space<hbm>> -> memref<16x8x32xf32, #tpu.memory_space<hbm>>
      tpu.wait_dma2 semaphore(%arg23 : memref<!tpu.dma_semaphore, #tpu.memory_space<semaphore_mem>>) src(%dma_wait3A_32 : memref<16x8x32xf32, #tpu.memory_space<hbm>>) dst(%arg15 : memref<16x8x32xf32, #tpu.memory_space<vmem>>)
      %dma_wait3A_33 = arith.constant 0 : i32
      %dma_wait3A_34 = arith.constant 0 : i32
      %dma_wait3A_35 = arith.constant 0 : i32
      %dma_wait3A_36 = tpu.memref_slice %arg5[%dma_wait3A_33, %dma_wait3A_34, %dma_wait3A_35] : memref<125000x8x32xf32, #tpu.memory_space<hbm>> -> memref<16x8x32xf32, #tpu.memory_space<hbm>>
      %dma_wait3A_37 = arith.constant 0 : i32
      %dma_wait3A_38 = arith.constant 0 : i32
      %dma_wait3A_39 = arith.constant 0 : i32
      %dma_wait3A_40 = tpu.memref_slice %arg5[%dma_wait3A_37, %dma_wait3A_38, %dma_wait3A_39] : memref<125000x8x32xf32, #tpu.memory_space<hbm>> -> memref<16x8x32xf32, #tpu.memory_space<hbm>>
      tpu.wait_dma2 semaphore(%arg23 : memref<!tpu.dma_semaphore, #tpu.memory_space<semaphore_mem>>) src(%dma_wait3A_40 : memref<16x8x32xf32, #tpu.memory_space<hbm>>) dst(%arg16 : memref<16x8x32xf32, #tpu.memory_space<vmem>>)
      %dma_wait3A_41 = arith.constant 0 : i32
      %dma_wait3A_42 = arith.constant 0 : i32
      %dma_wait3A_43 = arith.constant 0 : i32
      %dma_wait3A_44 = tpu.memref_slice %arg6[%dma_wait3A_41, %dma_wait3A_42, %dma_wait3A_43] : memref<125000x8x32xf32, #tpu.memory_space<hbm>> -> memref<16x8x32xf32, #tpu.memory_space<hbm>>
      %dma_wait3A_45 = arith.constant 0 : i32
      %dma_wait3A_46 = arith.constant 0 : i32
      %dma_wait3A_47 = arith.constant 0 : i32
      %dma_wait3A_48 = tpu.memref_slice %arg6[%dma_wait3A_45, %dma_wait3A_46, %dma_wait3A_47] : memref<125000x8x32xf32, #tpu.memory_space<hbm>> -> memref<16x8x32xf32, #tpu.memory_space<hbm>>
      tpu.wait_dma2 semaphore(%arg23 : memref<!tpu.dma_semaphore, #tpu.memory_space<semaphore_mem>>) src(%dma_wait3A_48 : memref<16x8x32xf32, #tpu.memory_space<hbm>>) dst(%arg17 : memref<16x8x32xf32, #tpu.memory_space<vmem>>)
      %dma_wait3A_49 = arith.constant 0 : i32
      %dma_wait3A_50 = arith.constant 0 : i32
      %dma_wait3A_51 = arith.constant 0 : i32
      %dma_wait3A_52 = tpu.memref_slice %arg7[%dma_wait3A_49, %dma_wait3A_50, %dma_wait3A_51] : memref<125000x8x32xf32, #tpu.memory_space<hbm>> -> memref<16x8x32xf32, #tpu.memory_space<hbm>>
      %dma_wait3A_53 = arith.constant 0 : i32
      %dma_wait3A_54 = arith.constant 0 : i32
      %dma_wait3A_55 = arith.constant 0 : i32
      %dma_wait3A_56 = tpu.memref_slice %arg7[%dma_wait3A_53, %dma_wait3A_54, %dma_wait3A_55] : memref<125000x8x32xf32, #tpu.memory_space<hbm>> -> memref<16x8x32xf32, #tpu.memory_space<hbm>>
      tpu.wait_dma2 semaphore(%arg23 : memref<!tpu.dma_semaphore, #tpu.memory_space<semaphore_mem>>) src(%dma_wait3A_56 : memref<16x8x32xf32, #tpu.memory_space<hbm>>) dst(%arg18 : memref<16x8x32xf32, #tpu.memory_space<vmem>>)
      %scan3A_57 = arith.constant 0 : i32
      %scan3A_58 = arith.constant 16 : i32
      %scan3A_59 = arith.addi %scan3A_57, %scan3A_58 : i32
      %scan3A_60 = arith.constant 1 : i32
      scf.for %scan3A_85 = %scan3A_57 to %scan3A_59 step %scan3A_60  : i32 {
        %mul3A_86 = arith.constant 16 : i32
        %mul3A_87 = arith.muli %scan3A_17, %mul3A_86 : i32
        %add3A_88 = arith.addi %mul3A_87, %scan3A_85 : i32
        %get3A = arith.index_cast %add3A_88 : i32 to index
        %get3A_89 = memref.load %arg12[%get3A] : memref<512xi32, #tpu.memory_space<smem>>
        %and3A = arith.constant 7 : i32
        %and3A_90 = arith.andi %get3A_89, %and3A : i32
        %get3A_91 = arith.index_cast %scan3A_85 : i32 to index
        %get3A_92 = arith.index_cast %and3A_90 : i32 to index
        %get3A_93 = arith.constant 0 : index
        %get3A_94 = tpu.vector_load %arg15[%get3A_91, %get3A_92, %get3A_93] {strides = array<i32>} : memref<16x8x32xf32, #tpu.memory_space<vmem>>, vector<16xf32>,
        %mul3A_95 = arith.constant 32 : i32
        %mul3A_96 = arith.muli %scan3A_85, %mul3A_95 : i32
        %add3A_97 = arith.constant 0 : i32
        %add3A_98 = arith.addi %mul3A_96, %add3A_97 : i32
        %swap3A = arith.index_cast %add3A_98 : i32 to index
        %swap3A_99 = tpu.vector_load %arg19[%swap3A] {strides = array<i32>} : memref<512xf32, #tpu.memory_space<vmem>>, vector<16xf32>,
        tpu.vector_store %arg19[%swap3A], %get3A_94 {strides = array<i32>} : memref<512xf32, #tpu.memory_space<vmem>>, vector<16xf32>,
        %get3A_100 = arith.index_cast %scan3A_85 : i32 to index
        %get3A_101 = arith.index_cast %and3A_90 : i32 to index
        %get3A_102 = arith.constant 16 : index
        %get3A_103 = tpu.vector_load %arg15[%get3A_100, %get3A_101, %get3A_102] {strides = array<i32>} : memref<16x8x32xf32, #tpu.memory_space<vmem>>, vector<16xf32>,
        %mul3A_104 = arith.constant 32 : i32
        %mul3A_105 = arith.muli %scan3A_85, %mul3A_104 : i32
        %add3A_106 = arith.constant 16 : i32
        %add3A_107 = arith.addi %mul3A_105, %add3A_106 : i32
        %swap3A_108 = arith.index_cast %add3A_107 : i32 to index
        %swap3A_109 = tpu.vector_load %arg19[%swap3A_108] {strides = array<i32>} : memref<512xf32, #tpu.memory_space<vmem>>, vector<16xf32>,
        tpu.vector_store %arg19[%swap3A_108], %get3A_103 {strides = array<i32>} : memref<512xf32, #tpu.memory_space<vmem>>, vector<16xf32>,
        %mul3A_110 = arith.constant 16 : i32
        %mul3A_111 = arith.muli %scan3A_17, %mul3A_110 : i32
        %add3A_112 = arith.addi %mul3A_111, %scan3A_85 : i32
        %get3A_113 = arith.index_cast %add3A_112 : i32 to index
        %get3A_114 = memref.load %arg13[%get3A_113] : memref<512xi32, #tpu.memory_space<smem>>
        %and3A_115 = arith.constant 7 : i32
        %and3A_116 = arith.andi %get3A_114, %and3A_115 : i32
        %get3A_117 = arith.index_cast %scan3A_85 : i32 to index
        %get3A_118 = arith.index_cast %and3A_116 : i32 to index
        %get3A_119 = arith.constant 0 : index
        %get3A_120 = tpu.vector_load %arg16[%get3A_117, %get3A_118, %get3A_119] {strides = array<i32>} : memref<16x8x32xf32, #tpu.memory_space<vmem>>, vector<16xf32>,
        %mul3A_121 = arith.constant 32 : i32
        %mul3A_122 = arith.muli %scan3A_85, %mul3A_121 : i32
        %add3A_123 = arith.constant 0 : i32
        %add3A_124 = arith.addi %mul3A_122, %add3A_123 : i32
        %swap3A_125 = arith.index_cast %add3A_124 : i32 to index
        %swap3A_126 = tpu.vector_load %arg20[%swap3A_125] {strides = array<i32>} : memref<512xf32, #tpu.memory_space<vmem>>, vector<16xf32>,
        tpu.vector_store %arg20[%swap3A_125], %get3A_120 {strides = array<i32>} : memref<512xf32, #tpu.memory_space<vmem>>, vector<16xf32>,
        %get3A_127 = arith.index_cast %scan3A_85 : i32 to index
        %get3A_128 = arith.index_cast %and3A_116 : i32 to index
        %get3A_129 = arith.constant 16 : index
        %get3A_130 = tpu.vector_load %arg16[%get3A_127, %get3A_128, %get3A_129] {strides = array<i32>} : memref<16x8x32xf32, #tpu.memory_space<vmem>>, vector<16xf32>,
        %mul3A_131 = arith.constant 32 : i32
        %mul3A_132 = arith.muli %scan3A_85, %mul3A_131 : i32
        %add3A_133 = arith.constant 16 : i32
        %add3A_134 = arith.addi %mul3A_132, %add3A_133 : i32
        %swap3A_135 = arith.index_cast %add3A_134 : i32 to index
        %swap3A_136 = tpu.vector_load %arg20[%swap3A_135] {strides = array<i32>} : memref<512xf32, #tpu.memory_space<vmem>>, vector<16xf32>,
        tpu.vector_store %arg20[%swap3A_135], %get3A_130 {strides = array<i32>} : memref<512xf32, #tpu.memory_space<vmem>>, vector<16xf32>,
        %mul3A_137 = arith.constant 16 : i32
        %mul3A_138 = arith.muli %scan3A_17, %mul3A_137 : i32
        %add3A_139 = arith.addi %mul3A_138, %scan3A_85 : i32
        %get3A_140 = arith.index_cast %add3A_139 : i32 to index
        %get3A_141 = memref.load %arg12[%get3A_140] : memref<512xi32, #tpu.memory_space<smem>>
        %and3A_142 = arith.constant 7 : i32
        %and3A_143 = arith.andi %get3A_141, %and3A_142 : i32
        %get3A_144 = arith.index_cast %scan3A_85 : i32 to index
        %get3A_145 = arith.index_cast %and3A_143 : i32 to index
        %get3A_146 = arith.constant 0 : index
        %get3A_147 = tpu.vector_load %arg17[%get3A_144, %get3A_145, %get3A_146] {strides = array<i32>} : memref<16x8x32xf32, #tpu.memory_space<vmem>>, vector<16xf32>,
        %mul3A_148 = arith.constant 32 : i32
        %mul3A_149 = arith.muli %scan3A_85, %mul3A_148 : i32
        %add3A_150 = arith.constant 0 : i32
        %add3A_151 = arith.addi %mul3A_149, %add3A_150 : i32
        %swap3A_152 = arith.index_cast %add3A_151 : i32 to index
        %swap3A_153 = tpu.vector_load %arg21[%swap3A_152] {strides = array<i32>} : memref<512xf32, #tpu.memory_space<vmem>>, vector<16xf32>,
        tpu.vector_store %arg21[%swap3A_152], %get3A_147 {strides = array<i32>} : memref<512xf32, #tpu.memory_space<vmem>>, vector<16xf32>,
        %get3A_154 = arith.index_cast %scan3A_85 : i32 to index
        %get3A_155 = arith.index_cast %and3A_143 : i32 to index
        %get3A_156 = arith.constant 16 : index
        %get3A_157 = tpu.vector_load %arg17[%get3A_154, %get3A_155, %get3A_156] {strides = array<i32>} : memref<16x8x32xf32, #tpu.memory_space<vmem>>, vector<16xf32>,
        %mul3A_158 = arith.constant 32 : i32
        %mul3A_159 = arith.muli %scan3A_85, %mul3A_158 : i32
        %add3A_160 = arith.constant 16 : i32
        %add3A_161 = arith.addi %mul3A_159, %add3A_160 : i32
        %swap3A_162 = arith.index_cast %add3A_161 : i32 to index
        %swap3A_163 = tpu.vector_load %arg21[%swap3A_162] {strides = array<i32>} : memref<512xf32, #tpu.memory_space<vmem>>, vector<16xf32>,
        tpu.vector_store %arg21[%swap3A_162], %get3A_157 {strides = array<i32>} : memref<512xf32, #tpu.memory_space<vmem>>, vector<16xf32>,
        %mul3A_164 = arith.constant 16 : i32
        %mul3A_165 = arith.muli %scan3A_17, %mul3A_164 : i32
        %add3A_166 = arith.addi %mul3A_165, %scan3A_85 : i32
        %get3A_167 = arith.index_cast %add3A_166 : i32 to index
        %get3A_168 = memref.load %arg13[%get3A_167] : memref<512xi32, #tpu.memory_space<smem>>
        %and3A_169 = arith.constant 7 : i32
        %and3A_170 = arith.andi %get3A_168, %and3A_169 : i32
        %get3A_171 = arith.index_cast %scan3A_85 : i32 to index
        %get3A_172 = arith.index_cast %and3A_170 : i32 to index
        %get3A_173 = arith.constant 0 : index
        %get3A_174 = tpu.vector_load %arg18[%get3A_171, %get3A_172, %get3A_173] {strides = array<i32>} : memref<16x8x32xf32, #tpu.memory_space<vmem>>, vector<16xf32>,
        %mul3A_175 = arith.constant 32 : i32
        %mul3A_176 = arith.muli %scan3A_85, %mul3A_175 : i32
        %add3A_177 = arith.constant 0 : i32
        %add3A_178 = arith.addi %mul3A_176, %add3A_177 : i32
        %swap3A_179 = arith.index_cast %add3A_178 : i32 to index
        %swap3A_180 = tpu.vector_load %arg22[%swap3A_179] {strides = array<i32>} : memref<512xf32, #tpu.memory_space<vmem>>, vector<16xf32>,
        tpu.vector_store %arg22[%swap3A_179], %get3A_174 {strides = array<i32>} : memref<512xf32, #tpu.memory_space<vmem>>, vector<16xf32>,
        %get3A_181 = arith.index_cast %scan3A_85 : i32 to index
        %get3A_182 = arith.index_cast %and3A_170 : i32 to index
        %get3A_183 = arith.constant 16 : index
        %get3A_184 = tpu.vector_load %arg18[%get3A_181, %get3A_182, %get3A_183] {strides = array<i32>} : memref<16x8x32xf32, #tpu.memory_space<vmem>>, vector<16xf32>,
        %mul3A_185 = arith.constant 32 : i32
        %mul3A_186 = arith.muli %scan3A_85, %mul3A_185 : i32
        %add3A_187 = arith.constant 16 : i32
        %add3A_188 = arith.addi %mul3A_186, %add3A_187 : i32
        %swap3A_189 = arith.index_cast %add3A_188 : i32 to index
        %swap3A_190 = tpu.vector_load %arg22[%swap3A_189] {strides = array<i32>} : memref<512xf32, #tpu.memory_space<vmem>>, vector<16xf32>,
        tpu.vector_store %arg22[%swap3A_189], %get3A_184 {strides = array<i32>} : memref<512xf32, #tpu.memory_space<vmem>>, vector<16xf32>,
      }
      %scan3A_61 = arith.constant 16 : i32
      %mul3A_62 = arith.constant 32 : i32
      %mul3A_63 = arith.muli %add3A_20, %mul3A_62 : i32
      %dma_start3A = tpu.memref_slice %arg8[%mul3A_63] : memref<524288xf32, #tpu.memory_space<hbm>> -> memref<512xf32, #tpu.memory_space<hbm>>
      %dma_start3A_64 = tpu.memref_slice %arg8[%mul3A_63] : memref<524288xf32, #tpu.memory_space<hbm>> -> memref<512xf32, #tpu.memory_space<hbm>>
      tpu.enqueue_dma source(%arg19 : memref<512xf32, #tpu.memory_space<vmem>>) target(%dma_start3A_64 : memref<512xf32, #tpu.memory_space<hbm>>) target_semaphore(%arg24 : memref<!tpu.dma_semaphore, #tpu.memory_space<semaphore_mem>>)
      %mul3A_65 = arith.constant 32 : i32
      %mul3A_66 = arith.muli %add3A_20, %mul3A_65 : i32
      %dma_start3A_67 = tpu.memref_slice %arg9[%mul3A_66] : memref<524288xf32, #tpu.memory_space<hbm>> -> memref<512xf32, #tpu.memory_space<hbm>>
      %dma_start3A_68 = tpu.memref_slice %arg9[%mul3A_66] : memref<524288xf32, #tpu.memory_space<hbm>> -> memref<512xf32, #tpu.memory_space<hbm>>
      tpu.enqueue_dma source(%arg20 : memref<512xf32, #tpu.memory_space<vmem>>) target(%dma_start3A_68 : memref<512xf32, #tpu.memory_space<hbm>>) target_semaphore(%arg24 : memref<!tpu.dma_semaphore, #tpu.memory_space<semaphore_mem>>)
      %mul3A_69 = arith.constant 32 : i32
      %mul3A_70 = arith.muli %add3A_20, %mul3A_69 : i32
      %dma_start3A_71 = tpu.memref_slice %arg10[%mul3A_70] : memref<524288xf32, #tpu.memory_space<hbm>> -> memref<512xf32, #tpu.memory_space<hbm>>
      %dma_start3A_72 = tpu.memref_slice %arg10[%mul3A_70] : memref<524288xf32, #tpu.memory_space<hbm>> -> memref<512xf32, #tpu.memory_space<hbm>>
      tpu.enqueue_dma source(%arg21 : memref<512xf32, #tpu.memory_space<vmem>>) target(%dma_start3A_72 : memref<512xf32, #tpu.memory_space<hbm>>) target_semaphore(%arg24 : memref<!tpu.dma_semaphore, #tpu.memory_space<semaphore_mem>>)
      %mul3A_73 = arith.constant 32 : i32
      %mul3A_74 = arith.muli %add3A_20, %mul3A_73 : i32
      %dma_start3A_75 = tpu.memref_slice %arg11[%mul3A_74] : memref<524288xf32, #tpu.memory_space<hbm>> -> memref<512xf32, #tpu.memory_space<hbm>>
      %dma_start3A_76 = tpu.memref_slice %arg11[%mul3A_74] : memref<524288xf32, #tpu.memory_space<hbm>> -> memref<512xf32, #tpu.memory_space<hbm>>
      tpu.enqueue_dma source(%arg22 : memref<512xf32, #tpu.memory_space<vmem>>) target(%dma_start3A_76 : memref<512xf32, #tpu.memory_space<hbm>>) target_semaphore(%arg24 : memref<!tpu.dma_semaphore, #tpu.memory_space<semaphore_mem>>)
      %dma_wait3A_77 = tpu.memref_slice %arg8[%mul3A_63] : memref<524288xf32, #tpu.memory_space<hbm>> -> memref<512xf32, #tpu.memory_space<hbm>>
      %dma_wait3A_78 = tpu.memref_slice %arg8[%mul3A_63] : memref<524288xf32, #tpu.memory_space<hbm>> -> memref<512xf32, #tpu.memory_space<hbm>>
      tpu.wait_dma2 semaphore(%arg24 : memref<!tpu.dma_semaphore, #tpu.memory_space<semaphore_mem>>) src(%arg19 : memref<512xf32, #tpu.memory_space<vmem>>) dst(%dma_wait3A_78 : memref<512xf32, #tpu.memory_space<hbm>>)
      %dma_wait3A_79 = tpu.memref_slice %arg9[%mul3A_66] : memref<524288xf32, #tpu.memory_space<hbm>> -> memref<512xf32, #tpu.memory_space<hbm>>
      %dma_wait3A_80 = tpu.memref_slice %arg9[%mul3A_66] : memref<524288xf32, #tpu.memory_space<hbm>> -> memref<512xf32, #tpu.memory_space<hbm>>
      tpu.wait_dma2 semaphore(%arg24 : memref<!tpu.dma_semaphore, #tpu.memory_space<semaphore_mem>>) src(%arg20 : memref<512xf32, #tpu.memory_space<vmem>>) dst(%dma_wait3A_80 : memref<512xf32, #tpu.memory_space<hbm>>)
      %dma_wait3A_81 = tpu.memref_slice %arg10[%mul3A_70] : memref<524288xf32, #tpu.memory_space<hbm>> -> memref<512xf32, #tpu.memory_space<hbm>>
      %dma_wait3A_82 = tpu.memref_slice %arg10[%mul3A_70] : memref<524288xf32, #tpu.memory_space<hbm>> -> memref<512xf32, #tpu.memory_space<hbm>>
      tpu.wait_dma2 semaphore(%arg24 : memref<!tpu.dma_semaphore, #tpu.memory_space<semaphore_mem>>) src(%arg21 : memref<512xf32, #tpu.memory_space<vmem>>) dst(%dma_wait3A_82 : memref<512xf32, #tpu.memory_space<hbm>>)
      %dma_wait3A_83 = tpu.memref_slice %arg11[%mul3A_74] : memref<524288xf32, #tpu.memory_space<hbm>> -> memref<512xf32, #tpu.memory_space<hbm>>
      %dma_wait3A_84 = tpu.memref_slice %arg11[%mul3A_74] : memref<524288xf32, #tpu.memory_space<hbm>> -> memref<512xf32, #tpu.memory_space<hbm>>
      tpu.wait_dma2 semaphore(%arg24 : memref<!tpu.dma_semaphore, #tpu.memory_space<semaphore_mem>>) src(%arg22 : memref<512xf32, #tpu.memory_space<vmem>>) dst(%dma_wait3A_84 : memref<512xf32, #tpu.memory_space<hbm>>)
    }
    %scan3A_16 = arith.constant 32 : i32
    return
  }
}

module attributes {stable_mosaic.version = 14 : i64} {
  func.func @_tc_body(%arg0: i32, %arg1: memref<1024x128xf32, #tpu.memory_space<vmem>>, %arg2: memref<1024x128xf32, #tpu.memory_space<vmem>>, %arg3: memref<1024x128xf32, #tpu.memory_space<vmem>>, %arg4: memref<1024x128xf32, #tpu.memory_space<vmem>>, %arg5: memref<128x256xf32, #tpu.memory_space<vmem>>, %arg6: memref<128x256xf32, #tpu.memory_space<vmem>>, %arg7: memref<1x256xf32, #tpu.memory_space<vmem>>, %arg8: memref<256x128xf32, #tpu.memory_space<vmem>>, %arg9: memref<1x128xf32, #tpu.memory_space<vmem>>, %arg10: memref<128x4xf32, #tpu.memory_space<vmem>>, %arg11: memref<128x4xf32, #tpu.memory_space<vmem>>, %arg12: memref<1x1xf32, #tpu.memory_space<vmem>>, %arg13: memref<1024x4xf32, #tpu.memory_space<vmem>>) attributes {dimension_semantics = [#tpu.dimension_semantics<arbitrary>], iteration_bounds = array<i64: 4>, scalar_prefetch = 0 : i64, scratch_operands = 0 : i64, tpu.core_type = #tpu.core_type<tc>, window_params = [{transform_indices = @transform_0, window_bounds = array<i64: 1024, 128>}, {transform_indices = @transform_1, window_bounds = array<i64: 1024, 128>}, {transform_indices = @transform_2, window_bounds = array<i64: 1024, 128>}, {transform_indices = @transform_3, window_bounds = array<i64: 1024, 128>}, {pipeline_mode = #tpu.pipeline_mode<synchronous>, transform_indices = @transform_4, window_bounds = array<i64: 128, 256>}, {pipeline_mode = #tpu.pipeline_mode<synchronous>, transform_indices = @transform_5, window_bounds = array<i64: 128, 256>}, {pipeline_mode = #tpu.pipeline_mode<synchronous>, transform_indices = @transform_6, window_bounds = array<i64: 1, 256>}, {pipeline_mode = #tpu.pipeline_mode<synchronous>, transform_indices = @transform_7, window_bounds = array<i64: 256, 128>}, {pipeline_mode = #tpu.pipeline_mode<synchronous>, transform_indices = @transform_8, window_bounds = array<i64: 1, 128>}, {pipeline_mode = #tpu.pipeline_mode<synchronous>, transform_indices = @transform_9, window_bounds = array<i64: 128, 4>}, {pipeline_mode = #tpu.pipeline_mode<synchronous>, transform_indices = @transform_10, window_bounds = array<i64: 128, 4>}, {pipeline_mode = #tpu.pipeline_mode<synchronous>, transform_indices = @transform_11, window_bounds = array<i64: 1, 1>}, {transform_indices = @transform_12, window_bounds = array<i64: 1024, 4>}]} {
    %get3A = arith.constant 0 : index
    %get3A_0 = arith.constant 0 : index
    %get3A_1 = vector.load %arg1[%get3A, %get3A_0] : memref<1024x128xf32, #tpu.memory_space<vmem>>, vector<1024x128xf32>
    %get3A_2 = arith.constant 0 : index
    %get3A_3 = arith.constant 0 : index
    %get3A_4 = vector.load %arg5[%get3A_2, %get3A_3] : memref<128x256xf32, #tpu.memory_space<vmem>>, vector<128x256xf32>
    %dot_general3A = arith.constant dense<0.000000e+00> : vector<1024x256xf32>
    %dot_general3A_5 = tpu.matmul %get3A_1, %get3A_4, %dot_general3A {dimension_numbers = #tpu.dot_dimension_numbers<[1], [0], [0], [1], [0, 0, 1, 1], [], []>, transpose_lhs_hint = false} : vector<1024x128xf32>, vector<128x256xf32>, vector<1024x256xf32> -> vector<1024x256xf32>
    %get3A_6 = arith.constant 0 : index
    %get3A_7 = arith.constant 0 : index
    %get3A_8 = vector.load %arg2[%get3A_6, %get3A_7] : memref<1024x128xf32, #tpu.memory_space<vmem>>, vector<1024x128xf32>
    %get3A_9 = arith.constant 0 : index
    %get3A_10 = arith.constant 0 : index
    %get3A_11 = vector.load %arg6[%get3A_9, %get3A_10] : memref<128x256xf32, #tpu.memory_space<vmem>>, vector<128x256xf32>
    %dot_general3A_12 = arith.constant dense<0.000000e+00> : vector<1024x256xf32>
    %dot_general3A_13 = tpu.matmul %get3A_8, %get3A_11, %dot_general3A_12 {dimension_numbers = #tpu.dot_dimension_numbers<[1], [0], [0], [1], [0, 0, 1, 1], [], []>, transpose_lhs_hint = false} : vector<1024x128xf32>, vector<128x256xf32>, vector<1024x256xf32> -> vector<1024x256xf32>
    %add3A = arith.addf %dot_general3A_5, %dot_general3A_13 : vector<1024x256xf32>
    %get3A_14 = arith.constant 0 : index
    %get3A_15 = arith.constant 0 : index
    %get3A_16 = vector.load %arg7[%get3A_14, %get3A_15] : memref<1x256xf32, #tpu.memory_space<vmem>>, vector<1x256xf32>
    %add3A_17 = vector.broadcast %get3A_16 : vector<1x256xf32> to vector<1024x256xf32>
    %add3A_18 = arith.addf %add3A, %add3A_17 : vector<1024x256xf32>
    %max3A = arith.constant 0.000000e+00 : f32
    %max3A_19 = vector.broadcast %max3A : f32 to vector<1024x256xf32>
    %max3A_20 = arith.maximumf %add3A_18, %max3A_19 : vector<1024x256xf32>
    %get3A_21 = arith.constant 0 : index
    %get3A_22 = arith.constant 0 : index
    %get3A_23 = vector.load %arg8[%get3A_21, %get3A_22] : memref<256x128xf32, #tpu.memory_space<vmem>>, vector<256x128xf32>
    %dot_general3A_24 = arith.constant dense<0.000000e+00> : vector<1024x128xf32>
    %dot_general3A_25 = tpu.matmul %max3A_20, %get3A_23, %dot_general3A_24 {dimension_numbers = #tpu.dot_dimension_numbers<[1], [0], [0], [1], [0, 0, 1, 1], [], []>, transpose_lhs_hint = false} : vector<1024x256xf32>, vector<256x128xf32>, vector<1024x128xf32> -> vector<1024x128xf32>
    %get3A_26 = arith.constant 0 : index
    %get3A_27 = arith.constant 0 : index
    %get3A_28 = vector.load %arg9[%get3A_26, %get3A_27] : memref<1x128xf32, #tpu.memory_space<vmem>>, vector<1x128xf32>
    %add3A_29 = vector.broadcast %get3A_28 : vector<1x128xf32> to vector<1024x128xf32>
    %add3A_30 = arith.addf %dot_general3A_25, %add3A_29 : vector<1024x128xf32>
    %max3A_31 = arith.constant 0.000000e+00 : f32
    %max3A_32 = vector.broadcast %max3A_31 : f32 to vector<1024x128xf32>
    %max3A_33 = arith.maximumf %add3A_30, %max3A_32 : vector<1024x128xf32>
    %get3A_34 = arith.constant 0 : index
    %get3A_35 = arith.constant 0 : index
    %get3A_36 = vector.load %arg3[%get3A_34, %get3A_35] : memref<1024x128xf32, #tpu.memory_space<vmem>>, vector<1024x128xf32>
    %get3A_37 = arith.constant 0 : index
    %get3A_38 = arith.constant 0 : index
    %get3A_39 = vector.load %arg4[%get3A_37, %get3A_38] : memref<1024x128xf32, #tpu.memory_space<vmem>>, vector<1024x128xf32>
    %mul3A = arith.mulf %get3A_36, %get3A_39 : vector<1024x128xf32>
    %get3A_40 = arith.constant 0 : index
    %get3A_41 = arith.constant 0 : index
    %get3A_42 = vector.load %arg10[%get3A_40, %get3A_41] : memref<128x4xf32, #tpu.memory_space<vmem>>, vector<128x4xf32>
    %dot_general3A_43 = arith.constant dense<0.000000e+00> : vector<1024x4xf32>
    %dot_general3A_44 = tpu.matmul %mul3A, %get3A_42, %dot_general3A_43 {dimension_numbers = #tpu.dot_dimension_numbers<[1], [0], [0], [1], [0, 0, 1, 1], [], []>, transpose_lhs_hint = false} : vector<1024x128xf32>, vector<128x4xf32>, vector<1024x4xf32> -> vector<1024x4xf32>
    %get3A_45 = arith.constant 0 : index
    %get3A_46 = arith.constant 0 : index
    %get3A_47 = vector.load %arg11[%get3A_45, %get3A_46] : memref<128x4xf32, #tpu.memory_space<vmem>>, vector<128x4xf32>
    %dot_general3A_48 = arith.constant dense<0.000000e+00> : vector<1024x4xf32>
    %dot_general3A_49 = tpu.matmul %max3A_33, %get3A_47, %dot_general3A_48 {dimension_numbers = #tpu.dot_dimension_numbers<[1], [0], [0], [1], [0, 0, 1, 1], [], []>, transpose_lhs_hint = false} : vector<1024x128xf32>, vector<128x4xf32>, vector<1024x4xf32> -> vector<1024x4xf32>
    %add3A_50 = arith.addf %dot_general3A_44, %dot_general3A_49 : vector<1024x4xf32>
    %get3A_51 = arith.constant 0 : index
    %get3A_52 = arith.constant 0 : index
    %get3A_53 = vector.load %arg12[%get3A_51, %get3A_52] : memref<1x1xf32, #tpu.memory_space<vmem>>, vector<1x1xf32>
    %add3A_54 = vector.broadcast %get3A_53 : vector<1x1xf32> to vector<1024x4xf32>
    %add3A_55 = arith.addf %add3A_50, %add3A_54 : vector<1024x4xf32>
    %swap3A = arith.constant 0 : index
    %swap3A_56 = arith.constant 0 : index
    %swap3A_57 = vector.load %arg13[%swap3A, %swap3A_56] : memref<1024x4xf32, #tpu.memory_space<vmem>>, vector<1024x4xf32>
    tpu.vector_store %arg13[%swap3A, %swap3A_56], %add3A_55 {strides = array<i32>} : memref<1024x4xf32, #tpu.memory_space<vmem>>, vector<1024x4xf32>,
    return
  }
  func.func @transform_0(%arg0: i32) -> (i32, i32) {
    %c0_i32 = arith.constant 0 : i32
    %c0_i32_0 = arith.constant 0 : i32
    return %arg0, %c0_i32 : i32, i32
  }
  func.func @transform_1(%arg0: i32) -> (i32, i32) {
    %c0_i32 = arith.constant 0 : i32
    %c0_i32_0 = arith.constant 0 : i32
    return %arg0, %c0_i32 : i32, i32
  }
  func.func @transform_2(%arg0: i32) -> (i32, i32) {
    %c0_i32 = arith.constant 0 : i32
    %c0_i32_0 = arith.constant 0 : i32
    return %arg0, %c0_i32 : i32, i32
  }
  func.func @transform_3(%arg0: i32) -> (i32, i32) {
    %c0_i32 = arith.constant 0 : i32
    %c0_i32_0 = arith.constant 0 : i32
    return %arg0, %c0_i32 : i32, i32
  }
  func.func @transform_4(%arg0: i32) -> (i32, i32) {
    %c0_i32 = arith.constant 0 : i32
    %c0_i32_0 = arith.constant 0 : i32
    %c0_i32_1 = arith.constant 0 : i32
    return %c0_i32, %c0_i32_0 : i32, i32
  }
  func.func @transform_5(%arg0: i32) -> (i32, i32) {
    %c0_i32 = arith.constant 0 : i32
    %c0_i32_0 = arith.constant 0 : i32
    %c0_i32_1 = arith.constant 0 : i32
    return %c0_i32, %c0_i32_0 : i32, i32
  }
  func.func @transform_6(%arg0: i32) -> (i32, i32) {
    %c0_i32 = arith.constant 0 : i32
    %c0_i32_0 = arith.constant 0 : i32
    %c0_i32_1 = arith.constant 0 : i32
    return %c0_i32, %c0_i32_0 : i32, i32
  }
  func.func @transform_7(%arg0: i32) -> (i32, i32) {
    %c0_i32 = arith.constant 0 : i32
    %c0_i32_0 = arith.constant 0 : i32
    %c0_i32_1 = arith.constant 0 : i32
    return %c0_i32, %c0_i32_0 : i32, i32
  }
  func.func @transform_8(%arg0: i32) -> (i32, i32) {
    %c0_i32 = arith.constant 0 : i32
    %c0_i32_0 = arith.constant 0 : i32
    %c0_i32_1 = arith.constant 0 : i32
    return %c0_i32, %c0_i32_0 : i32, i32
  }
  func.func @transform_9(%arg0: i32) -> (i32, i32) {
    %c0_i32 = arith.constant 0 : i32
    %c0_i32_0 = arith.constant 0 : i32
    %c0_i32_1 = arith.constant 0 : i32
    return %c0_i32, %c0_i32_0 : i32, i32
  }
  func.func @transform_10(%arg0: i32) -> (i32, i32) {
    %c0_i32 = arith.constant 0 : i32
    %c0_i32_0 = arith.constant 0 : i32
    %c0_i32_1 = arith.constant 0 : i32
    return %c0_i32, %c0_i32_0 : i32, i32
  }
  func.func @transform_11(%arg0: i32) -> (i32, i32) {
    %c0_i32 = arith.constant 0 : i32
    %c0_i32_0 = arith.constant 0 : i32
    %c0_i32_1 = arith.constant 0 : i32
    return %c0_i32, %c0_i32_0 : i32, i32
  }
  func.func @transform_12(%arg0: i32) -> (i32, i32) {
    %c0_i32 = arith.constant 0 : i32
    %c0_i32_0 = arith.constant 0 : i32
    return %arg0, %c0_i32 : i32, i32
  }
}

</mosaic_0001>

<sc_bundles>
// kernel: kernel.4.cloned.1.call-start
scs
__scs_entry_jumppad:
0x0: {  	(pc) =	sbr.rel $0x88, $3  }
0x1: {  	(tag) =	ssettag $0x0;
	lr =	simm.s32 $0x1  }
0x2: {  	[smem:$0x3F95] =	sst lr;
	_ =	strace $0xD0000000  }
0x3: {  	_ = 	snop  }
0x4: {  	_ = 	snop  }
0x5: {  	_ = 	snop  }
0x6: {  	_ = 	snop  }
0x7: {  	_ = 	snop  }
__scs_overlays_trampoline_lowered:
0x8: {  	[smem:$0x3FA4] =	sst s0  }
0x9: {  	[smem:$0x3FA5] =	sst s1  }
0xa: {  	[smem:$0x3FA6] =	sst s2  }
0xb: {  	[smem:$0x3FA7] =	sst s3  }
0xc: {  	[smem:$0x3FA8] =	sst s4  }
0xd: {  	[smem:$0x3FA9] =	sst s5  }
0xe: {  	[smem:$0x3FAA] =	sst s6  }
0xf: {  	[smem:$0x3FAB] =	sst s7  }
0x10: {  	[smem:$0x3FAC] =	sst s8  }
0x11: {  	[smem:$0x3FAD] =	sst s9;
	s0 =	simm.s32 @!p0 $0x0  }
0x12: {  	s1 =	sld [smem:$0x3F93];
	s0 =	simm.s32 @p0 $0x1  }
0x13: {  	[smem:$0x3FAE] =	sst s0;
	s0 =	simm.s32 @!p1 $0x0  }
0x14: {  	s2 =	sld [smem:$0x3F92];
	s0 =	simm.s32 @p1 $0x1  }
0x15: {  	[smem:$0x3FAF] =	sst s0;
	s0 =	simm.s32 @!p2 $0x0  }
0x16: {  	s3 =	sld [smem:$0x3FDB];
	s0 =	simm.s32 @p2 $0x1  }
0x17: {  	s4 =	simm.s32 $0x1BF5;
	[smem:$0x3FB1] =	sst s0  }
0x18: {  	s0 =	sld [smem:$0x3F94];
	_ =	swait.ge [sflag:s4], $0x0  }
0x19: {  	s7 =	sld [smem:$0x3F95]  }
0x1a: {  	s8 =	sadd.s32 $0xFFFFE003, lr  }
0x1b: {  	s9 =	sadd.s32 $0xFFFFFEF7, lr;
	s5 =	simm.s32 $0xFFFFFFFF;
	p2 =	slt.u32 s8, $0xFFFFF086  }
0x1c: {  	p1 =	slt.u32 s9, $0xF7A;
	s5 =	simm.s32 @!p2 $0x0  }
0x1d: {  	s5 =	simm.s32 @p1 $0x1;
	p0 =	seq.s32 s7, s2  }
0x1e: {  	s7 =	smul.u32 @!p0 $0xF7A, s2;
	p2 =	seq.s32 @!p0 s5, $0x0  }
0x1f: {  	s9 =	smul.u32 $0xF7A, s1;
	s8 =	simm.s32 @!p0 $0x1BF5;
	p2 =	por !p2, p0  }
0x20: {  	[sflag:s8] =	ssyncset.s32 @!p0 $0xFFFFF086;
	s6 =	sadd.s32 @!p0 s3, s7;
	s7 =	simm.s32 @!p0 $0x108  }
0x21: {  	s3 =	sadd.s32 s3, s9;
	s6 =	sadd.s32 @!p0 $0x88, s6;
	s7 =	simm.s32 @p2 $0x1082  }
0x22: {  	[simem:s7], [sflag:s8] =	dma.local @!p0 [hbm:s6], $0xF7A  }
0x23: {  	s9 =	sor.u32 $0xD0000000, s2;
	s6 =	simm.s32 $0x108;
	_ =	swait.ge @!p0 [sflag:s8], $0x0  }
0x24: {  	s3 =	sadd.s32 $0x88, s3;
	s6 =	simm.s32 @!p1 $0x1082;
	[sflag:s4] =	ssyncset.s32 $0xFFFFF086  }
0x25: {  	[simem:s6], [sflag:s4] =	dma.local [hbm:s3], $0xF7A  }
0x26: {  	[smem:$0x3F95] =	sst s1;
	(tag) =	ssettag s2;
	_ =	strace s9  }
0x27: {  	s1 =	sld [smem:$0x3FA5]  }
0x28: {  	s2 =	sld [smem:$0x3FA6]  }
0x29: {  	s4 =	sld [smem:$0x3FA8]  }
0x2a: {  	p0 =	seq.s32 s5, $0x0;
	s5 =	sld [smem:$0x3FA9]  }
0x2b: {  	s6 =	sld [smem:$0x3FAA]  }
0x2c: {  	s7 =	sld [smem:$0x3FAB]  }
0x2d: {  	s3 =	simm.s32 $0x108;
	s8 =	sld [smem:$0x3FAC]  }
0x2e: {  	s3 =	simm.s32 @!p0 $0x1082;
	s9 =	sld [smem:$0x3FAD]  }
0x2f: {  	lr =	sadd.s32 s0, s3;
	s0 =	sld [smem:$0x3FA4]  }
0x30: {  	s3 =	sld [smem:$0x3FA7]  }
0x31: {  	[smem:$0x3FB0] =	sst s10  }
0x32: {  	s10 =	sld [smem:$0x3FAE];
	_ =	sdelay $0x3  }
0x33: {  	p0 =	seq.s32 s10, $0x1;
	s10 =	sld [smem:$0x3FB0];
	_ =	sdelay $0x3  }
0x34: {  	[smem:$0x3FB0] =	sst s10  }
0x35: {  	s10 =	sld [smem:$0x3FAF];
	_ =	sdelay $0x3  }
0x36: {  	p1 =	seq.s32 s10, $0x1;
	s10 =	sld [smem:$0x3FB0];
	_ =	sdelay $0x3  }
0x37: {  	[smem:$0x3FB0] =	sst s10  }
0x38: {  	s10 =	sld [smem:$0x3FB1]  }
0x39: {  	_ = 	snop;
	(pc) =	sbr.ind lr, $3  }
0x3a: {  	_ = 	snop  }
0x3b: {  	_ = 	snop  }
0x3c: {  	p2 =	seq.s32 s10, $0x1;
	s10 =	sld [smem:$0x3FB0]  }
0x3d: {  	_ =	shalt  }
0x3e: {  	_ =	shalt  }
0x3f: {  	_ =	shalt  }
0x40: {  	_ =	shalt  }
0x41: {  	_ =	shalt  }
0x42: {  	_ =	shalt  }
0x43: {  	_ =	shalt  }
0x44: {  	_ =	shalt  }
0x45: {  	_ =	shalt  }
0x46: {  	_ =	shalt  }
0x47: {  	_ =	shalt  }
0x48: {  	_ =	shalt  }
0x49: {  	_ =	shalt  }
0x4a: {  	_ =	shalt  }
0x4b: {  	_ =	shalt  }
0x4c: {  	_ =	shalt  }
0x4d: {  	_ =	shalt  }
0x4e: {  	_ =	shalt  }
0x4f: {  	_ =	shalt  }
0x50: {  	_ =	shalt  }
0x51: {  	_ =	shalt  }
0x52: {  	_ =	shalt  }
0x53: {  	_ =	shalt  }
0x54: {  	_ =	shalt  }
0x55: {  	_ =	shalt  }
0x56: {  	_ =	shalt  }
0x57: {  	_ =	shalt  }
0x58: {  	_ =	shalt  }
0x59: {  	_ =	shalt  }
0x5a: {  	_ =	shalt  }
0x5b: {  	_ =	shalt  }
0x5c: {  	_ =	shalt  }
0x5d: {  	_ =	shalt  }
0x5e: {  	_ =	shalt  }
0x5f: {  	_ =	shalt  }
0x60: {  	_ =	shalt  }
0x61: {  	_ =	shalt  }
0x62: {  	_ =	shalt  }
0x63: {  	_ =	shalt  }
0x64: {  	_ =	shalt  }
0x65: {  	_ =	shalt  }
0x66: {  	_ =	shalt  }
0x67: {  	_ =	shalt  }
0x68: {  	_ =	shalt  }
0x69: {  	_ =	shalt  }
0x6a: {  	_ =	shalt  }
0x6b: {  	_ =	shalt  }
0x6c: {  	_ =	shalt  }
0x6d: {  	_ =	shalt  }
0x6e: {  	_ =	shalt  }
0x6f: {  	_ =	shalt  }
0x70: {  	_ =	shalt  }
0x71: {  	_ =	shalt  }
0x72: {  	_ =	shalt  }
0x73: {  	_ =	shalt  }
0x74: {  	_ =	shalt  }
0x75: {  	_ =	shalt  }
0x76: {  	_ =	shalt  }
0x77: {  	_ =	shalt  }
0x78: {  	_ =	shalt  }
0x79: {  	_ =	shalt  }
0x7a: {  	_ =	shalt  }
0x7b: {  	_ =	shalt  }
0x7c: {  	_ =	shalt  }
0x7d: {  	_ =	shalt  }
0x7e: {  	_ =	shalt  }
0x7f: {  	_ =	shalt  }
0x80: {  	_ =	shalt  }
0x81: {  	_ =	shalt  }
0x82: {  	_ =	shalt  }
0x83: {  	_ =	shalt  }
0x84: {  	_ =	shalt  }
0x85: {  	_ =	shalt  }
0x86: {  	_ =	shalt  }
0x87: {  	_ =	shalt  }
.Lfunc_end0:
.L_simem_size_0:
called_computation_lowered:
.L_overlay_start_0:
0x88: {  	s2 =	sld [smem:$0x3FD9]  }
0x89: {  	s3 =	sld [smem:$0x3FFE];
	_ =	sdelay $0x1  }
0x8a: {  	s1 =	srdreg.scid  }
0x8b: {  	s0 =	sand.u32 $0x1, s1  }
0x8c: {  	s17 =	sshll.u32 s0, $0xA;
	s2 =	sadd.s32 s3, s2  }
0x8d: {  	s2 =	sadd.s32 s2, s17  }
0x8e: {  	[smem:$0x3FBC] =	sst s2  }
0x8f: {  	_ = 	snop  }
0x90: {  	s2 =	sld [smem:$0x3FC9]  }
0x91: {  	s18 =	sld [smem:$0x3FC8];
	(tm) =	ssettm $0x1  }
0x92: {  	s4 =	sld [smem:$0x3FFB];
	_ =	sdelay $0x3  }
0x93: {  	_ =	strace s4  }
0x94: {  	s4 =	sld [smem:$0x3FFC];
	_ =	sdelay $0x3  }
0x95: {  	_ =	strace s4  }
0x96: {  	s4 =	sld [smem:$0x3FFD];
	_ =	sdelay $0x3  }
0x97: {  	_ =	strace s4  }
0x98: {  	_ =	strace $0x8FFFFFFF  }
0x99: {  	s19 =	sld [smem:$0x3FDB];
	_ =	sdelay $0x1  }
0x9a: {  	s5 =	simm.s32 $_scs_section_size  }
0x9b: {  	s6 =	simm.s32 $_size__tile_overlayer_lowered;
	s7 =	simm.s32 $_tile_overlayer_lowered  }
0x9c: {  	s22 =	simm.s32 $0x1BFF;
	s21 =	sshll.u32 s7, $0x1;
	s4 =	sadd.s32 s5, s19  }
0x9d: {  	s8 =	simm.s32 $0x0;
	s20 =	sshll.u32 s6, $0x1;
	s6 =	sadd.s32 s21, s4  }
0x9e: {  	[timem:s8], [sflag:s22] =	dma.local [hbm:s6], s20  }
0x9f: {  	_ =	swait.ge [sflag:s22], s20  }
0xa0: {  	s5 =	ssub.s32 $0x0, s20;
	[sflag:s22] =	ssyncset.done $0x0  }
0xa1: {  	[sflag:s22] =	ssyncadd.s32 s5;
	_ =	sdelay $0x1  }
0xa2: {  	s23 =	simm.s32 $0x1B8B  }
0xa3: {  	_ =	swait.ge [sflag:s23], $0x1  }
0xa4: {  	[sflag:s23] =	ssyncset.done $0x0  }
0xa5: {  	s25 =	simm.s32 $0x1B8E;
	s24 =	sld [smem:$0x3FFE];
	[sflag:s23] =	ssyncadd.s32 $0xFFFFFFFF  }
0xa6: {  	s26 =	simm.s32 $execute0_lowered;
	[smem:$0x3FD2] =	sst s25  }
0xa7: {  	s6 =	sshll.u32 s26, $0x1;
	_ =	strace $0x80000046;
	[dreg:$0x1] =	wrdreg $0xFFFFFFFF  }
0xa8: {  	s28 =	simm.s32 $_size_execute0_lowered;
	s4 =	sadd.s32 s4, s6;
	[dreg:$0x0] =	wrdreg $0x0  }
0xa9: {  	s6 =	sshll.u32 s28, $0x1;
	[dreg:$0x2] =	wrdreg s4  }
0xaa: {  	[dreg:$0x3] =	wrdreg s6  }
0xab: {  	[dreg:$0x4] =	wrdreg $0xC0  }
0xac: {  	_ =	task [dreg:s8], $0x5FFFF  }
0xad: {  	[dreg:$0x1] =	wrdreg $0xFFFFFFFF  }
0xae: {  	[dreg:$0x0] =	wrdreg $0x60  }
0xaf: {  	[dreg:$0x2] =	wrdreg s2  }
0xb0: {  	[dreg:$0x3] =	wrdreg s18  }
0xb1: {  	[dreg:$0x4] =	wrdreg s24  }
0xb2: {  	[dreg:$0x5] =	wrdreg $0x9  }
0xb3: {  	_ =	task.clear_ibuf [dreg:s8], $0x6FFFF;
	_ =	strace $0x90000046  }
0xb4: {  	s29 =	simm.s32 $0x9;
	_ =	strace $0x80000048  }
0xb5: {  	_ =	swait.ge [sflag:s29], $0x1  }
0xb6: {  	[sflag:s29] =	ssyncadd.s32 $0xFFFFFFFF  }
0xb7: {  	_ =	strace $0x90000048  }
0xb8: {  	_ =	sfence  }
0xb9: {  	s30 =	sld [smem:$0x0];
	_ =	sdelay $0x2  }
0xba: {  	s31 =	sshll.u32 s1, $0xD;
	s1 =	sshrl.u32 s1, $0x2  }
0xbb: {  	s3 =	sand.u32 $0x4000, s31;
	s1 =	sadd.s32 s1, s30  }
0xbc: {  	s0 =	sor.u32 s3, s0;
	s1 =	sshll.u32 s1, $0x11  }
0xbd: {  	s0 =	sor.u32 s1, s0  }
0xbe: {  	s0 =	sadd.s32 $0x8F2B, s0  }
0xbf: {  	[sflag:s0] =	ssyncadd.remote.s32 $0x1  }
0xc0: {  	_ =	sfence.sel $0xFFFF  }
0xc1: {  	[dreg:$0x0] =	wrdreg $0xFFFFFFFF;
	(pc) =	sbr.abs _section_cstart, $3  }
0xc2: {  	[dreg:$0x1] =	wrdreg $0xFFFFFFFF  }
0xc3: {  	_ =	task.clear_ibuf [dreg:s8], $0x2FFFF;
	_ =	strace $0x9FFFFFFF  }
0xc4: {  	(tm) =	ssettm $0x7FFFFFFF  }
0xc5: {  	_ =	shalt  }
tec
execute0_lowered:
.L_overlay_start_1:
0x0: {  	(tag) =	ssettag $0x1  }
0x1: {  	s0 =	rddreg [dreg:$0x0]  }
0x2: {  	s4 =	rddreg [dreg:$0x1]  }
0x3: {  	s11 =	rddreg [dreg:$0x2]  }
0x4: {  	s1 =	simm.s32 $0x0;
	s8 =	srdreg.scid;
	s7 =	stileid.u32  }
0x5: {  	s16 =	simm.s32 $0x1;
	[smem:$0x7FF] =	sst s1;
	s2 =	sadd.s32 $0x2200, s11  }
0x6: {  	s21 =	simm.s32 $0x2;
	s3 =	sadd.s32 $0xF44600, s11;
	s5 =	sadd.s32 $0x1E86A00, s11  }
0x7: {  	s6 =	sadd.s32 $0x2DC8E00, s11;
	s19 =	sadd.s32 $0x3D0B200, s11;
	s10 =	sand.u32 $0x1, s8  }
0x8: {  	s20 =	sadd.s32 $0x3D1B200, s11;
	s12 =	sshll.u32 s7, $0xA;
	s13 =	sshll.u32 s10, $0x9  }
0x9: {  	vm0 =	vmmov $0x1;
	s9 =	sadd.s32 $0x3D2B200, s11;
	s14 =	ssub.s32 $0x2, s10;
	s10 =	sor.u32 s13, s12  }
0xa: {  	vm1 =	vcmask $0x308;
	vm2 =	vcmask $0x70C;
	vm3 =	vcmask $0xB10;
	_ =	strace $0x80000047;
	[dreg:$0x4] =	wrdreg s19;
	s13 =	sshrl.u32 s10, $0x3  }
0xb: {  	vm4 =	vcmask $0xF14;
	vm5 =	vcmask $0x1318;
	vm6 =	vcmask $0x171C;
	[dreg:$0x5] =	wrdreg s20;
	s29 =	sshrl.u32 s14, $0x1;
	s0 =	sadd.s32 s0, s13  }
0xc: {  	vm7 =	vcmask $0x1B20;
	vm8 =	vcmask $0x1F24;
	vm9 =	vcmask $0x2328;
	s12 =	ssub.s32 s14, s29;
	s30 =	sadd.s32 s4, s13;
	[dreg:$0x6] =	wrdreg s0  }
0xd: {  	vm10 =	vcmask $0x272C;
	vm11 =	vcmask $0x2B30;
	vm12 =	vcmask $0x2F34;
	s11 =	sadd.s32 $0x3D3B200, s11;
	s31 =	smax.u32 s12, $0x1;
	[dreg:$0x7] =	wrdreg s30  }
0xe: {  	vm13 =	vcmask $0x3338;
	vm14 =	vcmask $0x373C;
	vm15 =	vmmov $0x7fff;
	s7 =	simm.s32 $0x3;
	s4 =	simm.s32 $0x0;
	[dreg:$0x8] =	wrdreg s31  }
.LBB2_1:
0xf: {  	[dreg:$0x9] =	wrdreg s4  }
0x10: {  	s0 =	rddreg [dreg:$0x6]  }
0x11: {  	[tilespmem:s1], [sflag:$0x3] =	stream.linear.gather [hbm4b:s0+s1], $0x200, $0x38;
	[tilespmem:$0x10A00] =	vst v63  }
0x12: {  	_ =	swait.ge [sflag:s7], $0x200  }
0x13: {  	[sflag:s7] =	ssyncset.done $0x0  }
0x14: {  	s24 =	simm.s32 $0x0;
	[sflag:s7] =	ssyncadd.s32 $0xFFFFFE00  }
0x15: {  	v0 =	vld [tilespmem:s24+$0x0];
	_ =	sdelay $0x4  }
0x16: {  	v0 =	vcvt.s32.f32 v0;
	_ =	sdelay $0x1  }
0x17: {  	v1 =	vsel vm8, $0x0, v0  }
0x18: {  	v2 =	vsel vm9, $0x0, v0;
	(xrf2) =	vadd.scan.msk.f32 $0xffff, v1  }
0x19: {  	v1 =	vsel vm7, $0x0, v0;
	(xrf2) =	vadd.scan.msk.f32 $0xffff, v2  }
0x1a: {  	v2 =	vsel vm12, $0x0, v0;
	(xrf2) =	vadd.scan.msk.f32 $0xffff, v1  }
0x1b: {  	v1 =	vsel vm13, $0x0, v0;
	(xrf2) =	vadd.scan.msk.f32 $0xffff, v2  }
0x1c: {  	v2 =	vsel vm11, $0x0, v0;
	(xrf2) =	vadd.scan.msk.f32 $0xffff, v1  }
0x1d: {  	v1 =	vsel vm10, $0x0, v0;
	(xrf2) =	vadd.scan.msk.f32 $0xffff, v2  }
0x1e: {  	v2 =	vsel vm4, $0x0, v0;
	(xrf2) =	vadd.scan.msk.f32 $0xffff, v1  }
0x1f: {  	v1 =	vsel vm2, $0x0, v0;
	(xrf2) =	vadd.scan.msk.f32 $0xffff, v2  }
0x20: {  	v2 =	vsel vm1, $0x0, v0;
	(xrf2) =	vadd.scan.msk.f32 $0xffff, v1;
	v1 =	vsel vm6, $0x0, v0  }
0x21: {  	(xrf2) =	vadd.scan.msk.f32 $0xffff, v2  }
0x22: {  	v2 =	vsel vm5, $0x0, v0;
	v3, _, _ =	vpop (xrf2);
	(xrf2) =	vadd.scan.msk.f32 $0xffff, v1  }
0x23: {  	v4 =	vsel vm14, $0x0, v0;
	v1, _, _ =	vpop (xrf2);
	(xrf2) =	vadd.scan.msk.f32 $0xffff, v2;
	v2 =	vsel vm3, $0x0, v0  }
0x24: {  	v5, _, _ =	vpop (xrf2);
	(xrf2) =	vadd.scan.msk.f32 $0xffff, v4;
	v4 =	vsel vm15, $0x0, v0  }
0x25: {  	v0 =	vnsel vm0, $0x0, v0;
	v6, _, _ =	vpop (xrf2);
	(xrf2) =	vadd.scan.msk.f32 $0xffff, v2;
	(v2sf) =	vpush v5, $0xF  }
0x26: {  	v2, _, _ =	vpop (xrf2);
	(xrf2) =	vadd.scan.msk.f32 $0xffff, v4;
	(v2sf) =	vpush v6, $0xF  }
0x27: {  	v4, _, _ =	vpop (xrf2);
	(xrf2) =	vadd.scan.msk.f32 $0xffff, v0;
	(v2sf) =	vpush v1, $0xF  }
0x28: {  	v0, _, _ =	vpop (xrf2);
	(v2sf) =	vpush v4, $0xF  }
0x29: {  	s23 =	simm.s32 $0x10;
	v1, _, _ =	vpop (xrf2);
	(v2sf) =	vpush v2, $0xF  }
0x2a: {  	v4, _, _ =	vpop (xrf2);
	(v2sf) =	vpush v1, $0xF;
	v1 =	vld [tilespmem:s23+$0x0]  }
0x2b: {  	v2, _, _ =	vpop (xrf2)  }
0x2c: {  	(v2sf) =	vpush v4, $0xF;
	v4, _, _ =	vpop (xrf2)  }
0x2d: {  	(v2sf) =	vpush v2, $0xF;
	v2, _, _ =	vpop (xrf2)  }
0x2e: {  	(v2sf) =	vpush v4, $0xF;
	v5, _, _ =	vpop (xrf2)  }
0x2f: {  	(v2sf) =	vpush v2, $0xF;
	v4, _, _ =	vpop (xrf2);
	v7 =	vcvt.s32.f32 v1  }
0x30: {  	(v2sf) =	vpush v3, $0xF;
	v2, _, _ =	vpop (xrf2)  }
0x31: {  	(v2sf) =	vpush v0, $0xF;
	v1, _, _ =	vpop (xrf2);
	v0 =	vsel vm8, $0x0, v7  }
0x32: {  	(v2sf) =	vpush v1, $0xF;
	v1 =	vsel vm9, $0x0, v7;
	(xrf2) =	vadd.scan.msk.f32 $0xffff, v0  }
0x33: {  	v0 =	vsel vm7, $0x0, v7;
	(xrf2) =	vadd.scan.msk.f32 $0xffff, v1  }
0x34: {  	(xrf2) =	vadd.scan.msk.f32 $0xffff, v0;
	_ =	sdelay $0x1  }
0x35: {  	(v2sf) =	vpush v4, $0xF;
	s19 =	spop (v2sf);
	v0 =	vsel vm12, $0x0, v7  }
0x36: {  	v1 =	vsel vm13, $0x0, v7;
	s4 =	spop (v2sf);
	(xrf2) =	vadd.scan.msk.f32 $0xffff, v0  }
0x37: {  	v0 =	vsel vm11, $0x0, v7;
	s12 =	spop (v2sf);
	(xrf2) =	vadd.scan.msk.f32 $0xffff, v1  }
0x38: {  	s13 =	spop (v2sf);
	(xrf2) =	vadd.scan.msk.f32 $0xffff, v0;
	v0 =	vsel vm10, $0x0, v7  }
0x39: {  	s14 =	spop (v2sf)  }
0x3a: {  	(v2sf) =	vpush v5, $0xF;
	s15 =	spop (v2sf)  }
0x3b: {  	s29 =	scvt.f32.s32 s19;
	(xrf2) =	vadd.scan.msk.f32 $0xffff, v0;
	s17 =	spop (v2sf);
	v0, _, _ =	vpop (xrf2)  }
0x3c: {  	s4 =	scvt.f32.s32 s4;
	s18 =	spop (v2sf);
	v1, _, _ =	vpop (xrf2)  }
0x3d: {  	s30 =	scvt.f32.s32 s12;
	s20 =	spop (v2sf);
	v3, _, _ =	vpop (xrf2)  }
0x3e: {  	s28 =	scvt.f32.s32 s13;
	s25 =	spop (v2sf);
	(v2sf) =	vpush v3, $0xF  }
0x3f: {  	v4 =	vsel vm4, $0x0, v7;
	s26 =	scvt.f32.s32 s14;
	s31 =	spop (v2sf)  }
0x40: {  	s22 =	scvt.f32.s32 s17;
	(xrf2) =	vadd.scan.msk.f32 $0xffff, v4;
	s8 =	spop (v2sf);
	(v2sf) =	vpush v2, $0xF  }
0x41: {  	s18 =	scvt.f32.s32 s18;
	s17 =	spop (v2sf)  }
0x42: {  	s14 =	scvt.f32.s32 s20;
	v3 =	vsel vm2, $0x0, v7;
	s19 =	scvt.f32.s32 s17  }
0x43: {  	s13 =	scvt.f32.s32 s25;
	v5, _, _ =	vpop (xrf2);
	(xrf2) =	vadd.scan.msk.f32 $0xffff, v3;
	s12 =	scvt.f32.s32 s8  }
0x44: {  	s25 =	simm.s32 $0x20;
	v2 =	vsel vm1, $0x0, v7;
	v9, _, _ =	vpop (xrf2);
	(v2sf) =	vpush v5, $0xF;
	s20 =	spop (v2sf);
	[smem:s24] =	sst s19  }
0x45: {  	v11 =	vld [tilespmem:s25+$0x0];
	v10, _, _ =	vpop (xrf2);
	(xrf2) =	vadd.scan.msk.f32 $0xffff, v2;
	(v2sf) =	vpush v1, $0xF;
	s0 =	scvt.f32.s32 s20;
	[smem:$0x1] =	sst s18  }
0x46: {  	v6 =	vsel vm6, $0x0, v7;
	v8 =	vsel vm5, $0x0, v7;
	v12 =	vsel vm14, $0x0, v7;
	s17 =	scvt.f32.s32 s15;
	v5, _, _ =	vpop (xrf2);
	[smem:$0x2] =	sst s22  }
0x47: {  	v3 =	vsel vm15, $0x0, v7;
	v2 =	vsel vm3, $0x0, v7;
	v1 =	vnsel vm0, $0x0, v7;
	s15 =	scvt.f32.s32 s31;
	s22 =	simm.s32 $0xC0;
	[smem:$0x3] =	sst s0  }
.LBB2_2:
0x48: {  	[smem:s24+$0x4] =	sst s17  }
0x49: {  	(xrf2) =	vadd.scan.msk.f32 $0xffff, v6;
	s17 =	spop (v2sf);
	s0 =	smov.u32 s22;
	s31 =	sadd.s32 $0x40, s22  }
0x4a: {  	p0 =	sne.s32 s22, $0x7C0;
	v4 =	vcvt.s32.f32 v11;
	v11, _, _ =	vpop (xrf2);
	[smem:s24+$0x5] =	sst s13;
	s13 =	scvt.f32.s32 s17  }
0x4b: {  	(v2sf) =	vpush v10, $0xF;
	[smem:s24+$0x6] =	sst s14  }
0x4c: {  	v10 =	vnsel vm0, $0x0, v4;
	v7 =	vsel vm1, $0x0, v4;
	(xrf2) =	vadd.scan.msk.f32 $0xffff, v8;
	[smem:s24+$0x7] =	sst s29  }
0x4d: {  	v8 =	vsel vm3, $0x0, v4;
	v13 =	vsel vm4, $0x0, v4;
	v14, _, _ =	vpop (xrf2);
	s14 =	spop (v2sf);
	[smem:s24+$0x8] =	sst s15  }
0x4e: {  	v6 =	vsel vm6, $0x0, v4;
	v15 =	vsel vm7, $0x0, v4;
	v16 =	vsel vm8, $0x0, v4;
	[smem:s24+$0x9] =	sst s30  }
0x4f: {  	v17 =	vsel vm9, $0x0, v4;
	v18 =	vsel vm10, $0x0, v4;
	(v2sf) =	vpush v9, $0xF;
	(xrf2) =	vadd.scan.msk.f32 $0xffff, v12;
	[smem:s24+$0xA] =	sst s12;
	s12 =	spop (v2sf)  }
0x50: {  	v9 =	vsel vm12, $0x0, v4;
	v12 =	vsel vm13, $0x0, v4;
	v19, _, _ =	vpop (xrf2);
	(v2sf) =	vpush v11, $0xF;
	[smem:s24+$0xB] =	sst s28;
	s12 =	scvt.f32.s32 s12  }
0x51: {  	v11 =	vsel vm15, $0x0, v4;
	[smem:s24+$0xC] =	sst s4  }
0x52: {  	s29 =	scvt.f32.s32 s14;
	(xrf2) =	vadd.scan.msk.f32 $0xffff, v2;
	[smem:s24+$0xD] =	sst s26;
	v2 =	vmov v8  }
0x53: {  	v20 =	vsel vm11, $0x0, v4;
	(v2sf) =	vpush v14, $0xF;
	v8, _, _ =	vpop (xrf2);
	s4 =	spop (v2sf);
	[smem:s24+$0xE] =	sst s13  }
0x54: {  	s13 =	spop (v2sf);
	[smem:s24+$0xF] =	sst s12;
	s24 =	smov.u32 s23  }
0x55: {  	s23 =	smov.u32 s25;
	(xrf2) =	vadd.scan.msk.f32 $0xffff, v3;
	v3 =	vmov v11  }
0x56: {  	(v2sf) =	vpush v19, $0xF;
	v11, _, _ =	vpop (xrf2);
	_ =	sdelay $0x1  }
0x57: {  	(xrf2) =	vadd.scan.msk.f32 $0xffff, v1;
	v1 =	vmov v10  }
0x58: {  	v10, _, _ =	vpop (xrf2)  }
0x59: {  	s12 =	spop (v2sf)  }
0x5a: {  	(xrf2) =	vadd.scan.msk.f32 $0xffff, v16  }
0x5b: {  	v14, _, _ =	vpop (xrf2);
	(v2sf) =	vpush v8, $0xF  }
0x5c: {  	(v2sf) =	vpush v11, $0xF  }
0x5d: {  	s28 =	scvt.f32.s32 s12;
	(xrf2) =	vadd.scan.msk.f32 $0xffff, v17;
	(v2sf) =	vpush v0, $0xF;
	s12 =	spop (v2sf)  }
0x5e: {  	v8 =	vsel vm5, $0x0, v4;
	s15 =	spop (v2sf);
	v11, _, _ =	vpop (xrf2);
	_ =	sdelay $0x1  }
0x5f: {  	s26 =	scvt.f32.s32 s12;
	(xrf2) =	vadd.scan.msk.f32 $0xffff, v15  }
0x60: {  	v0, _, _ =	vpop (xrf2);
	s12 =	spop (v2sf);
	(v2sf) =	vpush v5, $0xF  }
0x61: {  	(v2sf) =	vpush v0, $0xF  }
0x62: {  	(xrf2) =	vadd.scan.msk.f32 $0xffff, v9;
	(v2sf) =	vpush v14, $0xF  }
0x63: {  	s30 =	scvt.f32.s32 s13;
	v0, _, _ =	vpop (xrf2);
	s14 =	spop (v2sf)  }
0x64: {  	v5 =	vsel vm2, $0x0, v4  }
0x65: {  	(xrf2) =	vadd.scan.msk.f32 $0xffff, v12  }
0x66: {  	v12, _, _ =	vpop (xrf2);
	_ =	sdelay $0x1  }
0x67: {  	(xrf2) =	vadd.scan.msk.f32 $0xffff, v20;
	(v2sf) =	vpush v10, $0xF  }
0x68: {  	v9, _, _ =	vpop (xrf2);
	s17 =	spop (v2sf)  }
0x69: {  	s18 =	scvt.f32.s32 s12;
	s12 =	spop (v2sf)  }
0x6a: {  	(xrf2) =	vadd.scan.msk.f32 $0xffff, v18;
	s13 =	scvt.f32.s32 s12;
	s22 =	spop (v2sf)  }
0x6b: {  	s19 =	scvt.f32.s32 s14;
	s14 =	scvt.f32.s32 s17;
	(v2sf) =	vpush v9, $0xF;
	v14, _, _ =	vpop (xrf2)  }
0x6c: {  	s17 =	scvt.f32.s32 s15  }
0x6d: {  	(xrf2) =	vadd.scan.msk.f32 $0xffff, v13;
	(v2sf) =	vpush v11, $0xF  }
0x6e: {  	v9, _, _ =	vpop (xrf2);
	s12 =	spop (v2sf)  }
0x6f: {  	s12 =	scvt.f32.s32 s12;
	s15 =	spop (v2sf)  }
0x70: {  	(xrf2) =	vadd.scan.msk.f32 $0xffff, v5;
	s15 =	scvt.f32.s32 s15;
	s20 =	spop (v2sf)  }
.Ltmp0:
0x71: {  	s25 =	sshra.s32 s0, $0x2;
	s4 =	scvt.f32.s32 s4;
	v10, _, _ =	vpop (xrf2);
	(v2sf) =	vpush v14, $0xF;
	(pc) =	sbr.rel @p0 .LBB2_2-.Ltmp0, $4  }
0x72: {  	v11 =	vld [tilespmem:s25+$0x0];
	(v2sf) =	vpush v12, $0xF;
	[smem:s24] =	sst s15;
	s15 =	scvt.f32.s32 s22  }
0x73: {  	s0 =	scvt.f32.s32 s20;
	(xrf2) =	vadd.scan.msk.f32 $0xffff, v7;
	[smem:s24+$0x1] =	sst s19  }
0x74: {  	v5, _, _ =	vpop (xrf2);
	[smem:s24+$0x2] =	sst s18  }
0x75: {  	v12 =	vsel vm14, $0x0, v4;
	s22 =	smov.u32 s31;
	[smem:s24+$0x3] =	sst s0  }
0x76: {  	(xrf2) =	vadd.scan.msk.f32 $0xffff, v6  }
0x77: {  	(xrf2) =	vadd.scan.msk.f32 $0xffff, v8  }
0x78: {  	(xrf2) =	vadd.scan.msk.f32 $0xffff, v12  }
0x79: {  	(xrf2) =	vadd.scan.msk.f32 $0xffff, v2  }
0x7a: {  	(xrf2) =	vadd.scan.msk.f32 $0xffff, v3  }
0x7b: {  	(xrf2) =	vadd.scan.msk.f32 $0xffff, v1;
	_ =	sdelay $0x1  }
0x7c: {  	(v2sf) =	vpush v10, $0xF;
	v1, _, _ =	vpop (xrf2)  }
0x7d: {  	(v2sf) =	vpush v9, $0xF;
	v2 =	vcvt.s32.f32 v11;
	v3, _, _ =	vpop (xrf2)  }
0x7e: {  	(v2sf) =	vpush v1, $0xF;
	v4, _, _ =	vpop (xrf2)  }
0x7f: {  	v6 =	vsel vm9, $0x0, v2;
	v1 =	vsel vm8, $0x0, v2;
	(v2sf) =	vpush v3, $0xF;
	v3, _, _ =	vpop (xrf2)  }
0x80: {  	(xrf2) =	vadd.scan.msk.f32 $0xffff, v1;
	(v2sf) =	vpush v4, $0xF;
	v4, _, _ =	vpop (xrf2)  }
0x81: {  	[smem:s24+$0x4] =	sst s17;
	v1 =	vsel vm7, $0x0, v2;
	(xrf2) =	vadd.scan.msk.f32 $0xffff, v6;
	(v2sf) =	vpush v3, $0xF;
	v7, _, _ =	vpop (xrf2)  }
0x82: {  	[smem:s24+$0x5] =	sst s13;
	(xrf2) =	vadd.scan.msk.f32 $0xffff, v1;
	v3 =	vsel vm12, $0x0, v2;
	(v2sf) =	vpush v4, $0xF;
	v6, _, _ =	vpop (xrf2)  }
0x83: {  	[smem:s24+$0x6] =	sst s14;
	v1 =	vsel vm13, $0x0, v2;
	(xrf2) =	vadd.scan.msk.f32 $0xffff, v3;
	(v2sf) =	vpush v0, $0xF;
	v0, _, _ =	vpop (xrf2)  }
0x84: {  	[smem:s24+$0x7] =	sst s29;
	v3 =	vsel vm11, $0x0, v2;
	(xrf2) =	vadd.scan.msk.f32 $0xffff, v1;
	(v2sf) =	vpush v5, $0xF;
	v4, _, _ =	vpop (xrf2)  }
0x85: {  	s0 =	spop (v2sf);
	[smem:s24+$0x8] =	sst s15;
	v1 =	vsel vm10, $0x0, v2;
	(xrf2) =	vadd.scan.msk.f32 $0xffff, v3;
	(v2sf) =	vpush v4, $0xF  }
0x86: {  	s15 =	scvt.f32.s32 s0;
	s17 =	spop (v2sf);
	v3 =	vsel vm4, $0x0, v2;
	(xrf2) =	vadd.scan.msk.f32 $0xffff, v1  }
0x87: {  	[smem:s24+$0x9] =	sst s30;
	s0 =	scvt.f32.s32 s17;
	v1 =	vsel vm2, $0x0, v2;
	(xrf2) =	vadd.scan.msk.f32 $0xffff, v3  }
0x88: {  	[smem:s24+$0xA] =	sst s12;
	s18 =	spop (v2sf);
	v3 =	vsel vm1, $0x0, v2;
	(v2sf) =	vpush v6, $0xF;
	(xrf2) =	vadd.scan.msk.f32 $0xffff, v1;
	v1 =	vsel vm6, $0x0, v2  }
0x89: {  	[smem:s24+$0xB] =	sst s28;
	s12 =	spop (v2sf);
	(xrf2) =	vadd.scan.msk.f32 $0xffff, v3  }
0x8a: {  	s19 =	scvt.f32.s32 s18;
	s8 =	spop (v2sf);
	v4, _, _ =	vpop (xrf2);
	v3 =	vsel vm5, $0x0, v2;
	(xrf2) =	vadd.scan.msk.f32 $0xffff, v1  }
0x8b: {  	[smem:s24+$0xC] =	sst s4;
	v5 =	vsel vm14, $0x0, v2;
	s20 =	spop (v2sf);
	(v2sf) =	vpush v7, $0xF;
	v1, _, _ =	vpop (xrf2);
	(xrf2) =	vadd.scan.msk.f32 $0xffff, v3  }
0x8c: {  	[smem:s24+$0xD] =	sst s26;
	s22 =	spop (v2sf);
	v3 =	vsel vm3, $0x0, v2;
	v6, _, _ =	vpop (xrf2);
	(xrf2) =	vadd.scan.msk.f32 $0xffff, v5  }
0x8d: {  	[smem:s24+$0xE] =	sst s15;
	v5 =	vsel vm15, $0x0, v2;
	s18 =	spop (v2sf);
	(v2sf) =	vpush v6, $0xF;
	v6, _, _ =	vpop (xrf2);
	(xrf2) =	vadd.scan.msk.f32 $0xffff, v3  }
0x8e: {  	[smem:s24+$0xF] =	sst s19;
	v2 =	vnsel vm0, $0x0, v2;
	s24 =	spop (v2sf);
	(v2sf) =	vpush v0, $0xF;
	v0, _, _ =	vpop (xrf2);
	(xrf2) =	vadd.scan.msk.f32 $0xffff, v5  }
0x8f: {  	s12 =	scvt.f32.s32 s12;
	s19 =	spop (v2sf);
	v3, _, _ =	vpop (xrf2);
	(v2sf) =	vpush v6, $0xF;
	(xrf2) =	vadd.scan.msk.f32 $0xffff, v2  }
0x90: {  	s15 =	scvt.f32.s32 s8;
	(v2sf) =	vpush v1, $0xF;
	v1, _, _ =	vpop (xrf2);
	s26 =	spop (v2sf)  }
0x91: {  	s13 =	scvt.f32.s32 s20;
	v2, _, _ =	vpop (xrf2);
	(v2sf) =	vpush v3, $0xF;
	s20 =	spop (v2sf)  }
0x92: {  	s4 =	scvt.f32.s32 s22;
	v3, _, _ =	vpop (xrf2);
	(v2sf) =	vpush v0, $0xF;
	s22 =	spop (v2sf)  }
0x93: {  	s14 =	scvt.f32.s32 s24;
	v0, _, _ =	vpop (xrf2);
	(v2sf) =	vpush v2, $0xF;
	s24 =	spop (v2sf)  }
0x94: {  	s18 =	scvt.f32.s32 s18;
	v2, _, _ =	vpop (xrf2);
	s8 =	spop (v2sf);
	(v2sf) =	vpush v3, $0xF  }
0x95: {  	s19 =	scvt.f32.s32 s19;
	s17 =	scvt.f32.s32 s26;
	(v2sf) =	vpush v0, $0xF;
	v0, _, _ =	vpop (xrf2)  }
0x96: {  	s20 =	scvt.f32.s32 s20;
	s26 =	scvt.f32.s32 s8;
	v3, _, _ =	vpop (xrf2);
	(v2sf) =	vpush v2, $0xF  }
0x97: {  	s22 =	scvt.f32.s32 s22;
	s28 =	spop (v2sf);
	v2, _, _ =	vpop (xrf2);
	(v2sf) =	vpush v0, $0xF  }
0x98: {  	s24 =	scvt.f32.s32 s24;
	[smem:s23] =	sst s26;
	(v2sf) =	vpush v4, $0xF;
	v0, _, _ =	vpop (xrf2)  }
0x99: {  	s8 =	scvt.f32.s32 s28;
	[smem:s23+$0x1] =	sst s19;
	v4, _, _ =	vpop (xrf2);
	(v2sf) =	vpush v1, $0xF  }
0x9a: {  	s19 =	spop (v2sf);
	[smem:s23+$0x2] =	sst s14;
	(v2sf) =	vpush v4, $0xF  }
0x9b: {  	s14 =	scvt.f32.s32 s19;
	[smem:s23+$0x3] =	sst s8  }
0x9c: {  	s26 =	spop (v2sf);
	[smem:s23+$0x4] =	sst s18  }
0x9d: {  	s8 =	spop (v2sf);
	[smem:s23+$0x5] =	sst s20  }
0x9e: {  	(v2sf) =	vpush v2, $0xF;
	[smem:s23+$0x6] =	sst s17;
	s17 =	spop (v2sf)  }
0x9f: {  	[smem:s23+$0x7] =	sst s0;
	s0 =	spop (v2sf)  }
0xa0: {  	[smem:s23+$0x8] =	sst s22;
	s19 =	spop (v2sf)  }
0xa1: {  	[smem:s23+$0x9] =	sst s15;
	s15 =	spop (v2sf)  }
0xa2: {  	s20 =	scvt.f32.s32 s8;
	s22 =	spop (v2sf)  }
0xa3: {  	[smem:s23+$0xA] =	sst s24;
	s24 =	spop (v2sf)  }
0xa4: {  	[smem:s23+$0xB] =	sst s13;
	s8 =	spop (v2sf)  }
0xa5: {  	[smem:s23+$0xC] =	sst s12;
	s12 =	spop (v2sf)  }
0xa6: {  	s18 =	scvt.f32.s32 s26;
	s26 =	spop (v2sf)  }
0xa7: {  	[smem:s23+$0xD] =	sst s4;
	s4 =	spop (v2sf)  }
0xa8: {  	(v2sf) =	vpush v3, $0xF;
	[smem:s23+$0xE] =	sst s14;
	s14 =	spop (v2sf)  }
0xa9: {  	[smem:s23+$0xF] =	sst s20;
	s23 =	spop (v2sf)  }
0xaa: {  	s20 =	scvt.f32.s32 s23  }
0xab: {  	s13 =	scvt.f32.s32 s24;
	s24 =	scvt.f32.s32 s8;
	(v2sf) =	vpush v0, $0xF  }
0xac: {  	s0 =	scvt.f32.s32 s0;
	[smem:s25] =	sst s20  }
0xad: {  	s8 =	spop (v2sf);
	[smem:s25+$0x1] =	sst s24  }
0xae: {  	s24 =	scvt.f32.s32 s8;
	[smem:s25+$0x2] =	sst s13  }
0xaf: {  	s22 =	scvt.f32.s32 s22;
	s13 =	rddreg [dreg:$0x7]  }
0xb0: {  	s8 =	scvt.f32.s32 s26;
	[smem:s25+$0x3] =	sst s24  }
0xb1: {  	s12 =	scvt.f32.s32 s12;
	[smem:s25+$0x4] =	sst s22  }
0xb2: {  	s19 =	scvt.f32.s32 s19;
	[smem:s25+$0x5] =	sst s8  }
0xb3: {  	s4 =	scvt.f32.s32 s4;
	[smem:s25+$0x6] =	sst s12  }
0xb4: {  	s15 =	scvt.f32.s32 s15;
	[smem:s25+$0x7] =	sst s18  }
0xb5: {  	s23 =	scvt.f32.s32 s14;
	[smem:s25+$0x8] =	sst s4  }
0xb6: {  	s24 =	scvt.f32.s32 s17;
	[smem:s25+$0x9] =	sst s0  }
0xb7: {  	s26 =	spop (v2sf);
	[smem:s25+$0xA] =	sst s23  }
0xb8: {  	s0 =	scvt.f32.s32 s26;
	s23 =	simm.s32 $0x0;
	[smem:s25+$0xB] =	sst s19  }
0xb9: {  	[tilespmem:s23], [sflag:$0x3] =	stream.linear.gather [hbm4b:s13+s23], $0x200, $0x38;
	[tilespmem:$0x10A00] =	vst v63  }
0xba: {  	s8 =	spop (v2sf);
	[smem:s25+$0xC] =	sst s24  }
0xbb: {  	s12 =	scvt.f32.s32 s8;
	[smem:s25+$0xD] =	sst s15  }
0xbc: {  	[smem:s25+$0xE] =	sst s0  }
0xbd: {  	[smem:s25+$0xF] =	sst s12  }
0xbe: {  	_ =	swait.ge [sflag:s7], $0x200  }
0xbf: {  	[sflag:s7] =	ssyncset.done $0x0  }
0xc0: {  	s25 =	simm.s32 $0x0;
	[sflag:s7] =	ssyncadd.s32 $0xFFFFFE00  }
0xc1: {  	v0 =	vld [tilespmem:s25+$0x0];
	_ =	sdelay $0x4  }
0xc2: {  	v0 =	vcvt.s32.f32 v0;
	_ =	sdelay $0x1  }
0xc3: {  	v1 =	vsel vm8, $0x0, v0  }
0xc4: {  	v2 =	vsel vm9, $0x0, v0;
	(xrf2) =	vadd.scan.msk.f32 $0xffff, v1  }
0xc5: {  	v1 =	vsel vm7, $0x0, v0;
	(xrf2) =	vadd.scan.msk.f32 $0xffff, v2  }
0xc6: {  	v2 =	vsel vm12, $0x0, v0;
	(xrf2) =	vadd.scan.msk.f32 $0xffff, v1  }
0xc7: {  	v1 =	vsel vm13, $0x0, v0;
	(xrf2) =	vadd.scan.msk.f32 $0xffff, v2  }
0xc8: {  	v2 =	vsel vm11, $0x0, v0;
	(xrf2) =	vadd.scan.msk.f32 $0xffff, v1  }
0xc9: {  	v1 =	vsel vm10, $0x0, v0;
	(xrf2) =	vadd.scan.msk.f32 $0xffff, v2  }
0xca: {  	v2 =	vsel vm4, $0x0, v0;
	(xrf2) =	vadd.scan.msk.f32 $0xffff, v1  }
0xcb: {  	v1 =	vsel vm2, $0x0, v0;
	(xrf2) =	vadd.scan.msk.f32 $0xffff, v2  }
0xcc: {  	v2 =	vsel vm1, $0x0, v0;
	(xrf2) =	vadd.scan.msk.f32 $0xffff, v1;
	v1 =	vsel vm6, $0x0, v0  }
0xcd: {  	(xrf2) =	vadd.scan.msk.f32 $0xffff, v2  }
0xce: {  	v2 =	vsel vm5, $0x0, v0;
	v3, _, _ =	vpop (xrf2);
	(xrf2) =	vadd.scan.msk.f32 $0xffff, v1  }
0xcf: {  	v4 =	vsel vm14, $0x0, v0;
	v1, _, _ =	vpop (xrf2);
	(xrf2) =	vadd.scan.msk.f32 $0xffff, v2;
	v2 =	vsel vm3, $0x0, v0  }
0xd0: {  	v5, _, _ =	vpop (xrf2);
	(xrf2) =	vadd.scan.msk.f32 $0xffff, v4;
	v4 =	vsel vm15, $0x0, v0  }
0xd1: {  	v0 =	vnsel vm0, $0x0, v0;
	v6, _, _ =	vpop (xrf2);
	(xrf2) =	vadd.scan.msk.f32 $0xffff, v2  }
0xd2: {  	(v2sf) =	vpush v5, $0xF;
	v2, _, _ =	vpop (xrf2);
	(xrf2) =	vadd.scan.msk.f32 $0xffff, v4  }
0xd3: {  	(v2sf) =	vpush v6, $0xF;
	v4, _, _ =	vpop (xrf2);
	(xrf2) =	vadd.scan.msk.f32 $0xffff, v0  }
0xd4: {  	(v2sf) =	vpush v1, $0xF;
	v0, _, _ =	vpop (xrf2)  }
0xd5: {  	s24 =	simm.s32 $0x10;
	(v2sf) =	vpush v4, $0xF;
	v1, _, _ =	vpop (xrf2)  }
0xd6: {  	v5 =	vld [tilespmem:s24+$0x0];
	(v2sf) =	vpush v2, $0xF;
	v4, _, _ =	vpop (xrf2)  }
0xd7: {  	(v2sf) =	vpush v1, $0xF;
	v2, _, _ =	vpop (xrf2)  }
0xd8: {  	(v2sf) =	vpush v4, $0xF;
	v1, _, _ =	vpop (xrf2)  }
0xd9: {  	(v2sf) =	vpush v2, $0xF;
	v2, _, _ =	vpop (xrf2)  }
0xda: {  	(v2sf) =	vpush v1, $0xF;
	v4, _, _ =	vpop (xrf2)  }
0xdb: {  	v7 =	vcvt.s32.f32 v5;
	(v2sf) =	vpush v2, $0xF;
	v1, _, _ =	vpop (xrf2)  }
0xdc: {  	(v2sf) =	vpush v3, $0xF;
	v2, _, _ =	vpop (xrf2)  }
0xdd: {  	(v2sf) =	vpush v0, $0xF;
	v0 =	vsel vm8, $0x0, v7;
	v3, _, _ =	vpop (xrf2)  }
0xde: {  	(xrf2) =	vadd.scan.msk.f32 $0xffff, v0;
	(v2sf) =	vpush v3, $0xF;
	v3 =	vsel vm9, $0x0, v7  }
0xdf: {  	v0 =	vsel vm7, $0x0, v7;
	(xrf2) =	vadd.scan.msk.f32 $0xffff, v3  }
0xe0: {  	(xrf2) =	vadd.scan.msk.f32 $0xffff, v0;
	_ =	sdelay $0x1  }
0xe1: {  	(v2sf) =	vpush v1, $0xF;
	s14 =	spop (v2sf)  }
0xe2: {  	s4 =	spop (v2sf)  }
0xe3: {  	v0 =	vsel vm12, $0x0, v7;
	s15 =	spop (v2sf)  }
0xe4: {  	v1 =	vsel vm13, $0x0, v7;
	(xrf2) =	vadd.scan.msk.f32 $0xffff, v0;
	v0 =	vsel vm11, $0x0, v7;
	s26 =	spop (v2sf)  }
0xe5: {  	(xrf2) =	vadd.scan.msk.f32 $0xffff, v1;
	v1 =	vsel vm10, $0x0, v7;
	s7 =	spop (v2sf)  }
0xe6: {  	(xrf2) =	vadd.scan.msk.f32 $0xffff, v0;
	(v2sf) =	vpush v4, $0xF;
	s17 =	spop (v2sf)  }
0xe7: {  	s30 =	scvt.f32.s32 s14;
	s8 =	spop (v2sf);
	v0, _, _ =	vpop (xrf2)  }
0xe8: {  	s4 =	scvt.f32.s32 s4;
	s18 =	spop (v2sf);
	(xrf2) =	vadd.scan.msk.f32 $0xffff, v1;
	v1, _, _ =	vpop (xrf2)  }
0xe9: {  	s31 =	scvt.f32.s32 s15;
	s19 =	spop (v2sf);
	v3, _, _ =	vpop (xrf2)  }
0xea: {  	s29 =	scvt.f32.s32 s26;
	s20 =	spop (v2sf);
	(v2sf) =	vpush v3, $0xF  }
0xeb: {  	s28 =	scvt.f32.s32 s7;
	s22 =	spop (v2sf);
	v3 =	vsel vm4, $0x0, v7  }
0xec: {  	s17 =	scvt.f32.s32 s17;
	s0 =	spop (v2sf);
	(v2sf) =	vpush v2, $0xF;
	(xrf2) =	vadd.scan.msk.f32 $0xffff, v3  }
0xed: {  	s13 =	scvt.f32.s32 s8;
	s26 =	spop (v2sf)  }
0xee: {  	s18 =	scvt.f32.s32 s18;
	v4, _, _ =	vpop (xrf2);
	v2 =	vsel vm2, $0x0, v7;
	s7 =	scvt.f32.s32 s26  }
0xef: {  	s14 =	scvt.f32.s32 s19;
	s15 =	scvt.f32.s32 s20;
	v8, _, _ =	vpop (xrf2);
	(v2sf) =	vpush v4, $0xF;
	(xrf2) =	vadd.scan.msk.f32 $0xffff, v2;
	s26 =	simm.s32 $0x20  }
0xf0: {  	v10, _, _ =	vpop (xrf2);
	s8 =	spop (v2sf);
	(v2sf) =	vpush v1, $0xF;
	v1 =	vsel vm1, $0x0, v7;
	v11 =	vld [tilespmem:s26+$0x0];
	[smem:$0x200] =	sst s7  }
0xf1: {  	s7 =	scvt.f32.s32 s8;
	(xrf2) =	vadd.scan.msk.f32 $0xffff, v1;
	[smem:$0x201] =	sst s18  }
0xf2: {  	v5 =	vsel vm6, $0x0, v7;
	v9 =	vsel vm5, $0x0, v7;
	v12 =	vsel vm14, $0x0, v7;
	s22 =	scvt.f32.s32 s22;
	v6, _, _ =	vpop (xrf2);
	[smem:$0x202] =	sst s13  }
0xf3: {  	s12 =	scvt.f32.s32 s0;
	s0 =	simm.s32 $0xC0;
	v3 =	vsel vm15, $0x0, v7;
	v2 =	vsel vm3, $0x0, v7;
	v1 =	vnsel vm0, $0x0, v7;
	[smem:$0x203] =	sst s7  }
.LBB2_4:
0xf4: {  	[smem:s25+$0x204] =	sst s17  }
0xf5: {  	(xrf2) =	vadd.scan.msk.f32 $0xffff, v5;
	s7 =	spop (v2sf);
	s13 =	smov.u32 s0;
	s18 =	sadd.s32 $0x40, s0  }
0xf6: {  	p0 =	sne.s32 s0, $0x7C0;
	v4 =	vcvt.s32.f32 v11;
	v11, _, _ =	vpop (xrf2);
	[smem:s25+$0x205] =	sst s15;
	s0 =	scvt.f32.s32 s7  }
0xf7: {  	(v2sf) =	vpush v10, $0xF;
	[smem:s25+$0x206] =	sst s14  }
0xf8: {  	v10 =	vnsel vm0, $0x0, v4;
	v7 =	vsel vm1, $0x0, v4;
	(xrf2) =	vadd.scan.msk.f32 $0xffff, v9;
	[smem:s25+$0x207] =	sst s30  }
0xf9: {  	v9 =	vsel vm3, $0x0, v4;
	v13 =	vsel vm4, $0x0, v4;
	v14, _, _ =	vpop (xrf2);
	s7 =	spop (v2sf);
	[smem:s25+$0x208] =	sst s22  }
0xfa: {  	v5 =	vsel vm6, $0x0, v4;
	v15 =	vsel vm7, $0x0, v4;
	v16 =	vsel vm8, $0x0, v4;
	[smem:s25+$0x209] =	sst s31  }
0xfb: {  	v17 =	vsel vm9, $0x0, v4;
	v18 =	vsel vm10, $0x0, v4;
	(v2sf) =	vpush v8, $0xF;
	(xrf2) =	vadd.scan.msk.f32 $0xffff, v12;
	[smem:s25+$0x20A] =	sst s12;
	s12 =	spop (v2sf)  }
0xfc: {  	v8 =	vsel vm12, $0x0, v4;
	v12 =	vsel vm13, $0x0, v4;
	v19, _, _ =	vpop (xrf2);
	(v2sf) =	vpush v11, $0xF;
	[smem:s25+$0x20B] =	sst s29;
	s12 =	scvt.f32.s32 s12  }
0xfd: {  	v11 =	vsel vm15, $0x0, v4;
	[smem:s25+$0x20C] =	sst s4  }
0xfe: {  	s30 =	scvt.f32.s32 s7;
	(xrf2) =	vadd.scan.msk.f32 $0xffff, v2;
	[smem:s25+$0x20D] =	sst s28;
	v2 =	vmov v9  }
0xff: {  	v20 =	vsel vm11, $0x0, v4;
	(v2sf) =	vpush v14, $0xF;
	v9, _, _ =	vpop (xrf2);
	s4 =	spop (v2sf);
	[smem:s25+$0x20E] =	sst s0  }
0x100: {  	s0 =	spop (v2sf);
	[smem:s25+$0x20F] =	sst s12;
	s25 =	smov.u32 s24  }
0x101: {  	s24 =	smov.u32 s26;
	(xrf2) =	vadd.scan.msk.f32 $0xffff, v3;
	v3 =	vmov v11  }
0x102: {  	(v2sf) =	vpush v19, $0xF;
	v11, _, _ =	vpop (xrf2);
	_ =	sdelay $0x1  }
0x103: {  	(xrf2) =	vadd.scan.msk.f32 $0xffff, v1;
	v1 =	vmov v10  }
0x104: {  	v10, _, _ =	vpop (xrf2)  }
0x105: {  	s7 =	spop (v2sf)  }
0x106: {  	(xrf2) =	vadd.scan.msk.f32 $0xffff, v16  }
0x107: {  	v14, _, _ =	vpop (xrf2);
	(v2sf) =	vpush v9, $0xF  }
0x108: {  	(v2sf) =	vpush v11, $0xF  }
0x109: {  	s29 =	scvt.f32.s32 s7;
	(xrf2) =	vadd.scan.msk.f32 $0xffff, v17;
	(v2sf) =	vpush v0, $0xF;
	s7 =	spop (v2sf)  }
0x10a: {  	v9 =	vsel vm5, $0x0, v4;
	s12 =	spop (v2sf);
	v11, _, _ =	vpop (xrf2);
	_ =	sdelay $0x1  }
0x10b: {  	s28 =	scvt.f32.s32 s7;
	(xrf2) =	vadd.scan.msk.f32 $0xffff, v15  }
0x10c: {  	v0, _, _ =	vpop (xrf2);
	s7 =	spop (v2sf);
	(v2sf) =	vpush v6, $0xF  }
0x10d: {  	(v2sf) =	vpush v0, $0xF  }
0x10e: {  	(xrf2) =	vadd.scan.msk.f32 $0xffff, v8;
	(v2sf) =	vpush v14, $0xF  }
0x10f: {  	s31 =	scvt.f32.s32 s0;
	v0, _, _ =	vpop (xrf2);
	s0 =	spop (v2sf)  }
0x110: {  	v6 =	vsel vm2, $0x0, v4  }
0x111: {  	(xrf2) =	vadd.scan.msk.f32 $0xffff, v12  }
0x112: {  	v12, _, _ =	vpop (xrf2);
	_ =	sdelay $0x1  }
0x113: {  	(xrf2) =	vadd.scan.msk.f32 $0xffff, v20;
	(v2sf) =	vpush v10, $0xF  }
0x114: {  	v8, _, _ =	vpop (xrf2);
	s14 =	spop (v2sf)  }
0x115: {  	s7 =	scvt.f32.s32 s7;
	s15 =	spop (v2sf)  }
0x116: {  	(xrf2) =	vadd.scan.msk.f32 $0xffff, v18;
	s15 =	scvt.f32.s32 s15;
	s19 =	spop (v2sf)  }
0x117: {  	s0 =	scvt.f32.s32 s0;
	s14 =	scvt.f32.s32 s14;
	(v2sf) =	vpush v8, $0xF;
	v14, _, _ =	vpop (xrf2)  }
0x118: {  	s17 =	scvt.f32.s32 s12  }
0x119: {  	(xrf2) =	vadd.scan.msk.f32 $0xffff, v13;
	(v2sf) =	vpush v11, $0xF  }
0x11a: {  	v8, _, _ =	vpop (xrf2);
	s12 =	spop (v2sf)  }
0x11b: {  	s12 =	scvt.f32.s32 s12;
	s20 =	spop (v2sf)  }
0x11c: {  	(xrf2) =	vadd.scan.msk.f32 $0xffff, v6;
	s20 =	scvt.f32.s32 s20;
	s8 =	spop (v2sf)  }
.Ltmp1:
0x11d: {  	s26 =	sshra.s32 s13, $0x2;
	s4 =	scvt.f32.s32 s4;
	v10, _, _ =	vpop (xrf2);
	(v2sf) =	vpush v14, $0xF;
	(pc) =	sbr.rel @p0 .LBB2_4-.Ltmp1, $4  }
0x11e: {  	s22 =	scvt.f32.s32 s19;
	v11 =	vld [tilespmem:s26+$0x0];
	(v2sf) =	vpush v12, $0xF;
	[smem:s25+$0x200] =	sst s20  }
0x11f: {  	(xrf2) =	vadd.scan.msk.f32 $0xffff, v7;
	[smem:s25+$0x201] =	sst s0;
	s0 =	scvt.f32.s32 s8  }
0x120: {  	v6, _, _ =	vpop (xrf2);
	[smem:s25+$0x202] =	sst s7  }
0x121: {  	v12 =	vsel vm14, $0x0, v4;
	[smem:s25+$0x203] =	sst s0;
	s0 =	smov.u32 s18  }
0x122: {  	(xrf2) =	vadd.scan.msk.f32 $0xffff, v5  }
0x123: {  	(xrf2) =	vadd.scan.msk.f32 $0xffff, v9  }
0x124: {  	(xrf2) =	vadd.scan.msk.f32 $0xffff, v12  }
0x125: {  	(xrf2) =	vadd.scan.msk.f32 $0xffff, v2  }
0x126: {  	(xrf2) =	vadd.scan.msk.f32 $0xffff, v3  }
0x127: {  	v24 =	vcvt.s32.f32 v11;
	(xrf2) =	vadd.scan.msk.f32 $0xffff, v1;
	_ =	sdelay $0x1  }
0x128: {  	(v2sf) =	vpush v10, $0xF;
	v25, _, _ =	vpop (xrf2);
	v4 =	vsel vm8, $0x0, v24  }
0x129: {  	(v2sf) =	vpush v8, $0xF;
	v27 =	vsel vm9, $0x0, v24;
	v26, _, _ =	vpop (xrf2);
	(xrf2) =	vadd.scan.msk.f32 $0xffff, v4  }
0x12a: {  	(v2sf) =	vpush v25, $0xF;
	v29 =	vsel vm7, $0x0, v24;
	v28, _, _ =	vpop (xrf2);
	(xrf2) =	vadd.scan.msk.f32 $0xffff, v27  }
0x12b: {  	(v2sf) =	vpush v26, $0xF;
	(xrf2) =	vadd.scan.msk.f32 $0xffff, v29;
	v30, _, _ =	vpop (xrf2)  }
0x12c: {  	(v2sf) =	vpush v28, $0xF;
	v31, _, _ =	vpop (xrf2)  }
0x12d: {  	v32 =	vsel vm12, $0x0, v24;
	(v2sf) =	vpush v30, $0xF;
	v33, _, _ =	vpop (xrf2)  }
0x12e: {  	v34 =	vsel vm13, $0x0, v24;
	(xrf2) =	vadd.scan.msk.f32 $0xffff, v32;
	(v2sf) =	vpush v31, $0xF;
	v7, _, _ =	vpop (xrf2)  }
0x12f: {  	v35 =	vsel vm11, $0x0, v24;
	(xrf2) =	vadd.scan.msk.f32 $0xffff, v34;
	(v2sf) =	vpush v0, $0xF;
	v36, _, _ =	vpop (xrf2)  }
0x130: {  	s7 =	spop (v2sf);
	v38 =	vsel vm10, $0x0, v24;
	(xrf2) =	vadd.scan.msk.f32 $0xffff, v35;
	(v2sf) =	vpush v6, $0xF;
	v37, _, _ =	vpop (xrf2)  }
0x131: {  	[smem:s25+$0x204] =	sst s17;
	v39 =	vsel vm4, $0x0, v24;
	s13 =	spop (v2sf);
	(xrf2) =	vadd.scan.msk.f32 $0xffff, v38;
	(v2sf) =	vpush v37, $0xF  }
0x132: {  	[smem:s25+$0x205] =	sst s15;
	v40 =	vsel vm2, $0x0, v24;
	s8 =	spop (v2sf);
	(xrf2) =	vadd.scan.msk.f32 $0xffff, v39  }
0x133: {  	[smem:s25+$0x206] =	sst s14;
	s0 =	spop (v2sf);
	v41, _, _ =	vpop (xrf2);
	(xrf2) =	vadd.scan.msk.f32 $0xffff, v40;
	(v2sf) =	vpush v7, $0xF  }
0x134: {  	[smem:s25+$0x207] =	sst s30;
	v42, _, _ =	vpop (xrf2)  }
0x135: {  	[smem:s25+$0x208] =	sst s22;
	s15 =	spop (v2sf);
	(v2sf) =	vpush v33, $0xF;
	v43, _, _ =	vpop (xrf2)  }
0x136: {  	s7 =	scvt.f32.s32 s7;
	v44 =	vsel vm1, $0x0, v24;
	[smem:s25+$0x209] =	sst s31;
	(v2sf) =	vpush v43, $0xF  }
0x137: {  	v45 =	vsel vm6, $0x0, v24;
	s13 =	scvt.f32.s32 s13;
	s14 =	spop (v2sf);
	(xrf2) =	vadd.scan.msk.f32 $0xffff, v44;
	(v2sf) =	vpush v36, $0xF  }
0x138: {  	v47 =	vsel vm5, $0x0, v24;
	[smem:s25+$0x20A] =	sst s12;
	s17 =	spop (v2sf);
	(xrf2) =	vadd.scan.msk.f32 $0xffff, v45;
	v46, _, _ =	vpop (xrf2)  }
0x139: {  	v50 =	vsel vm14, $0x0, v24;
	[smem:s25+$0x20B] =	sst s29;
	s18 =	spop (v2sf);
	(xrf2) =	vadd.scan.msk.f32 $0xffff, v47;
	v48, _, _ =	vpop (xrf2);
	(v2sf) =	vpush v46, $0xF  }
0x13a: {  	v51 =	vsel vm3, $0x0, v24;
	s8 =	scvt.f32.s32 s8;
	s19 =	spop (v2sf);
	(xrf2) =	vadd.scan.msk.f32 $0xffff, v50;
	v49, _, _ =	vpop (xrf2)  }
0x13b: {  	v52 =	vsel vm15, $0x0, v24;
	[smem:s25+$0x20C] =	sst s4;
	(xrf2) =	vadd.scan.msk.f32 $0xffff, v51;
	s12 =	spop (v2sf);
	v53, _, _ =	vpop (xrf2)  }
0x13c: {  	v54 =	vnsel vm0, $0x0, v24;
	[smem:s25+$0x20D] =	sst s28;
	(v2sf) =	vpush v42, $0xF;
	(xrf2) =	vadd.scan.msk.f32 $0xffff, v52;
	v55, _, _ =	vpop (xrf2);
	s20 =	spop (v2sf)  }
0x13d: {  	[smem:s25+$0x20E] =	sst s7;
	v56, _, _ =	vpop (xrf2);
	(xrf2) =	vadd.scan.msk.f32 $0xffff, v54;
	s22 =	spop (v2sf)  }
0x13e: {  	[smem:s25+$0x20F] =	sst s8;
	s7 =	spop (v2sf)  }
0x13f: {  	s0 =	scvt.f32.s32 s0;
	(v2sf) =	vpush v49, $0xF;
	s8 =	spop (v2sf)  }
0x140: {  	s19 =	scvt.f32.s32 s19;
	(v2sf) =	vpush v48, $0xF;
	s25 =	spop (v2sf)  }
0x141: {  	(v2sf) =	vpush v55, $0xF;
	v57, _, _ =	vpop (xrf2);
	s4 =	scvt.f32.s32 s22;
	s22 =	scvt.f32.s32 s25  }
0x142: {  	s12 =	scvt.f32.s32 s12;
	(v2sf) =	vpush v56, $0xF;
	v58, _, _ =	vpop (xrf2);
	s28 =	spop (v2sf)  }
0x143: {  	v59, _, _ =	vpop (xrf2);
	(v2sf) =	vpush v57, $0xF;
	s25 =	scvt.f32.s32 s28;
	[smem:s24+$0x200] =	sst s22  }
0x144: {  	v60, _, _ =	vpop (xrf2);
	s22 =	spop (v2sf);
	(v2sf) =	vpush v58, $0xF;
	[smem:s24+$0x201] =	sst s12  }
0x145: {  	v61, _, _ =	vpop (xrf2);
	[smem:s24+$0x202] =	sst s19;
	s19 =	spop (v2sf);
	(v2sf) =	vpush v59, $0xF  }
0x146: {  	s18 =	scvt.f32.s32 s18;
	v62, _, _ =	vpop (xrf2);
	s28 =	spop (v2sf);
	(v2sf) =	vpush v41, $0xF  }
0x147: {  	s15 =	scvt.f32.s32 s15;
	v63, _, _ =	vpop (xrf2);
	[smem:s24+$0x203] =	sst s25;
	(v2sf) =	vpush v53, $0xF  }
0x148: {  	[smem:s24+$0x204] =	sst s18;
	s18 =	spop (v2sf);
	(v2sf) =	vpush v63, $0xF  }
0x149: {  	s14 =	scvt.f32.s32 s14;
	s17 =	scvt.f32.s32 s17  }
0x14a: {  	s20 =	scvt.f32.s32 s20;
	s7 =	scvt.f32.s32 s7  }
0x14b: {  	[smem:s24+$0x205] =	sst s4;
	s4 =	spop (v2sf);
	(v2sf) =	vpush v61, $0xF  }
0x14c: {  	s8 =	scvt.f32.s32 s8;
	s22 =	scvt.f32.s32 s22  }
0x14d: {  	s12 =	scvt.f32.s32 s28;
	[smem:s24+$0x206] =	sst s20  }
0x14e: {  	s25 =	spop (v2sf);
	[smem:s24+$0x207] =	sst s13  }
0x14f: {  	s13 =	spop (v2sf);
	[smem:s24+$0x208] =	sst s7  }
0x150: {  	s20 =	spop (v2sf);
	[smem:s24+$0x209] =	sst s15  }
0x151: {  	s7 =	spop (v2sf);
	[smem:s24+$0x20A] =	sst s8  }
0x152: {  	[smem:s24+$0x20B] =	sst s14;
	s28 =	spop (v2sf)  }
0x153: {  	[smem:s24+$0x20C] =	sst s0;
	s0 =	spop (v2sf)  }
0x154: {  	s15 =	scvt.f32.s32 s19;
	s19 =	spop (v2sf)  }
0x155: {  	[smem:s24+$0x20D] =	sst s17;
	s17 =	spop (v2sf)  }
0x156: {  	[smem:s24+$0x20E] =	sst s22;
	s8 =	spop (v2sf)  }
0x157: {  	(v2sf) =	vpush v60, $0xF;
	[smem:s24+$0x20F] =	sst s12;
	s24 =	spop (v2sf)  }
0x158: {  	s7 =	scvt.f32.s32 s7;
	s12 =	scvt.f32.s32 s24  }
0x159: {  	s22 =	scvt.f32.s32 s25;
	s14 =	scvt.f32.s32 s28;
	(v2sf) =	vpush v62, $0xF  }
0x15a: {  	s28 =	spop (v2sf);
	[smem:s26+$0x200] =	sst s12  }
0x15b: {  	s24 =	scvt.f32.s32 s28;
	[smem:s26+$0x201] =	sst s14  }
0x15c: {  	s25 =	scvt.f32.s32 s20;
	[smem:s26+$0x202] =	sst s7  }
0x15d: {  	s28 =	scvt.f32.s32 s19;
	[smem:s26+$0x203] =	sst s24  }
0x15e: {  	s0 =	scvt.f32.s32 s0;
	[smem:s26+$0x204] =	sst s25  }
0x15f: {  	[smem:s26+$0x205] =	sst s28  }
0x160: {  	s17 =	scvt.f32.s32 s17;
	[smem:s26+$0x206] =	sst s0  }
0x161: {  	s19 =	scvt.f32.s32 s4;
	[smem:s26+$0x207] =	sst s15  }
0x162: {  	[smem:s26+$0x208] =	sst s17  }
0x163: {  	s20 =	scvt.f32.s32 s8;
	[smem:s26+$0x209] =	sst s19  }
0x164: {  	s14 =	scvt.f32.s32 s13;
	s19 =	rddreg [dreg:$0x4]  }
0x165: {  	s24 =	scvt.f32.s32 s18;
	[smem:s26+$0x20A] =	sst s20  }
0x166: {  	s25 =	spop (v2sf);
	s20 =	rddreg [dreg:$0x5]  }
0x167: {  	s0 =	scvt.f32.s32 s25;
	[smem:s26+$0x20B] =	sst s22  }
0x168: {  	s28 =	spop (v2sf);
	[smem:s26+$0x20C] =	sst s24  }
0x169: {  	s30 =	simm.s32 $0x10400;
	s4 =	scvt.f32.s32 s28;
	[smem:s26+$0x20D] =	sst s14  }
0x16a: {  	s31 =	simm.s32 $0x10600;
	s29 =	simm.s32 $0x10200;
	[smem:s26+$0x20E] =	sst s0  }
0x16b: {  	s25 =	simm.s32 $0x0;
	s24 =	simm.s32 $0x200;
	[smem:s26+$0x20F] =	sst s4  }
.LBB2_6:
0x16c: {  	s4 =	sld [smem:s23+$0x0];
	_ =	sdelay $0x1  }
0x16d: {  	s26 =	sshll.u32 s25, $0x4;
	s0 =	simm.s32 $0x0  }
0x16e: {  	s15 =	sld [smem:s24+$0x0];
	s12 =	simm.s32 $0x1000;
	s4 =	sshll.u32 s4, $0x4  }
0x16f: {  	s13 =	smov.u32 s24;
	s14 =	smov.u32 s23;
	s4 =	sand.u32 $0x1FFFFF80, s4  }
.LBB2_7:
0x170: {  	p0 =	sne.s32 s12, $0xF000;
	s7 =	sadd.s32 $0x200, s0;
	s8 =	sadd.s32 s2, s4  }
0x171: {  	[tilespmem:s7], [sflag:$0x1] =	stream.linear.gather [hbm4b:s8+s1], $0x400, $0x38;
	[tilespmem:$0x10A00] =	vst v63  }
0x172: {  	s13 =	sadd.s32 $0x1, s13;
	s8 =	smov.u32 s0;
	s7 =	sshll.u32 s15, $0x4  }
0x173: {  	s14 =	sadd.s32 $0x1, s14;
	s4 =	sadd.s32 s5, s4;
	s7 =	sand.u32 $0x1FFFFF80, s7  }
0x174: {  	s0 =	sadd.s32 $0x4200, s8;
	s15 =	sld [smem:s14+$0x0];
	s17 =	sadd.s32 s3, s7  }
0x175: {  	[tilespmem:s0], [sflag:$0x1] =	stream.linear.gather [hbm4b:s17+s1], $0x400, $0x38;
	[tilespmem:$0x10A00] =	vst v63  }
.Ltmp2:
0x176: {  	s0 =	sshra.s32 s12, $0x2;
	s17 =	sadd.s32 $0x8200, s8;
	(pc) =	sbr.rel @p0 .LBB2_7-.Ltmp2, $4  }
0x177: {  	[tilespmem:s17], [sflag:$0x1] =	stream.linear.gather [hbm4b:s4+s1], $0x400, $0x38;
	[tilespmem:$0x10A00] =	vst v63  }
0x178: {  	s7 =	sadd.s32 s6, s7;
	s8 =	sadd.s32 $0xC200, s8;
	s4 =	sshll.u32 s15, $0x4  }
0x179: {  	[tilespmem:s8], [sflag:$0x1] =	stream.linear.gather [hbm4b:s7+s1], $0x400, $0x38;
	[tilespmem:$0x10A00] =	vst v63  }
0x17a: {  	s12 =	sadd.s32 $0x1000, s12;
	s4 =	sand.u32 $0x1FFFFF80, s4;
	s15 =	sld [smem:s13+$0x0]  }
0x17b: {  	s7 =	sadd.s32 $0x200, s0;
	s8 =	sadd.s32 s2, s4  }
0x17c: {  	[tilespmem:s7], [sflag:$0x1] =	stream.linear.gather [hbm4b:s8+s1], $0x400, $0x38;
	[tilespmem:$0x10A00] =	vst v63  }
0x17d: {  	s15 =	sshll.u32 s15, $0x4  }
0x17e: {  	s7 =	sand.u32 $0x1FFFFF80, s15  }
0x17f: {  	s17 =	sadd.s32 $0x4200, s0;
	s12 =	sadd.s32 s3, s7  }
0x180: {  	[tilespmem:s17], [sflag:$0x1] =	stream.linear.gather [hbm4b:s12+s1], $0x400, $0x38;
	[tilespmem:$0x10A00] =	vst v63  }
0x181: {  	s18 =	sadd.s32 $0x8200, s0;
	s22 =	sadd.s32 s5, s4  }
0x182: {  	[tilespmem:s18], [sflag:$0x1] =	stream.linear.gather [hbm4b:s22+s1], $0x400, $0x38;
	[tilespmem:$0x10A00] =	vst v63  }
0x183: {  	s4 =	sadd.s32 $0xC200, s0;
	s8 =	sadd.s32 s6, s7  }
0x184: {  	[tilespmem:s4], [sflag:$0x1] =	stream.linear.gather [hbm4b:s8+s1], $0x400, $0x38;
	[tilespmem:$0x10A00] =	vst v63  }
0x185: {  	_ =	swait.ge [sflag:s16], $0x4000  }
0x186: {  	[sflag:s16] =	ssyncset.done $0x0  }
0x187: {  	[sflag:s16] =	ssyncadd.s32 $0xFFFFC000  }
0x188: {  	_ =	swait.ge [sflag:s16], $0x4000  }
0x189: {  	[sflag:s16] =	ssyncset.done $0x0  }
0x18a: {  	[sflag:s16] =	ssyncadd.s32 $0xFFFFC000  }
0x18b: {  	_ =	swait.ge [sflag:s16], $0x4000  }
0x18c: {  	[sflag:s16] =	ssyncset.done $0x0  }
0x18d: {  	[sflag:s16] =	ssyncadd.s32 $0xFFFFC000  }
0x18e: {  	_ =	swait.ge [sflag:s16], $0x4000  }
0x18f: {  	[sflag:s16] =	ssyncset.done $0x0  }
0x190: {  	[sflag:s16] =	ssyncadd.s32 $0xFFFFC000  }
0x191: {  	s12 =	sld [smem:s23+$0x0];
	_ =	sdelay $0x2  }
0x192: {  	s0 =	sand.u32 $0x7, s12  }
0x193: {  	s0 =	sshll.u32 s0, $0x7  }
0x194: {  	s13 =	sadd.s32 $0x210, s0  }
0x195: {  	v0 =	vld [tilespmem:s13+$0xFFFFFFF0];
	_ =	sdelay $0x3  }
0x196: {  	s12 =	simm.s32 $0x0  }
0x197: {  	[tilespmem:s12+$0x10200] =	vst v0  }
0x198: {  	s14 =	sld [smem:s24+$0x0];
	v0 =	vld [tilespmem:s13+$0x0];
	_ =	sdelay $0x2  }
0x199: {  	s4 =	sand.u32 $0x7, s14  }
0x19a: {  	s4 =	sshll.u32 s4, $0x7  }
0x19b: {  	s15 =	sadd.s32 $0x4210, s4;
	[tilespmem:s12+$0x10210] =	vst v0  }
0x19c: {  	v0 =	vld [tilespmem:s15+$0xFFFFFFF0];
	_ =	sdelay $0x4  }
0x19d: {  	[tilespmem:s12+$0x10400] =	vst v0  }
0x19e: {  	v0 =	vld [tilespmem:s15+$0x0];
	_ =	sdelay $0x4  }
0x19f: {  	s0 =	sadd.s32 $0x8210, s0;
	[tilespmem:s12+$0x10410] =	vst v0  }
0x1a0: {  	v0 =	vld [tilespmem:s0+$0xFFFFFFF0];
	_ =	sdelay $0x4  }
0x1a1: {  	[tilespmem:s12+$0x10600] =	vst v0  }
0x1a2: {  	v0 =	vld [tilespmem:s0+$0x0];
	_ =	sdelay $0x4  }
0x1a3: {  	s17 =	sadd.s32 $0xC210, s4;
	[tilespmem:s12+$0x10610] =	vst v0  }
0x1a4: {  	v0 =	vld [tilespmem:s17+$0xFFFFFFF0];
	_ =	sdelay $0x2  }
0x1a5: {  	s22 =	sadd.s32 $0x1, s23  }
0x1a6: {  	s28 =	simm.s32 $0x100;
	s18 =	sld [smem:s22+$0x0]  }
0x1a7: {  	s14 =	simm.s32 $0x210;
	s4 =	simm.s32 $0x8210;
	s13 =	simm.s32 $0x4210;
	[tilespmem:s12+$0x10800] =	vst v0  }
0x1a8: {  	s15 =	simm.s32 $0x80;
	s0 =	simm.s32 $0xC210;
	v0 =	vld [tilespmem:s17+$0x0];
	s17 =	smov.u32 s24  }
.LBB2_9:
0x1a9: {  	p0 =	sne.s32 s28, $0x780;
	_ =	sdelay $0x1  }
0x1aa: {  	s7 =	sand.u32 $0x7, s18  }
0x1ab: {  	s14 =	sadd.s32 $0x400, s14;
	s7 =	sshll.u32 s7, $0x7  }
0x1ac: {  	s8 =	sadd.s32 s7, s14;
	[tilespmem:s12+$0x10810] =	vst v0  }
0x1ad: {  	v0 =	vld [tilespmem:s8+$0xFFFFFFF0];
	_ =	sdelay $0x3  }
0x1ae: {  	s12 =	sshra.s32 s15, $0x2;
	s15 =	smov.u32 s28  }
0x1af: {  	s17 =	sadd.s32 $0x1, s17;
	[tilespmem:s12+$0x10200] =	vst v0  }
0x1b0: {  	v0 =	vld [tilespmem:s8+$0x0];
	s8 =	sld [smem:s17+$0x0];
	_ =	sdelay $0x2  }
0x1b1: {  	s8 =	sand.u32 $0x7, s8  }
0x1b2: {  	s13 =	sadd.s32 $0x400, s13;
	s8 =	sshll.u32 s8, $0x7  }
0x1b3: {  	[tilespmem:s12+$0x10210] =	vst v0;
	s18 =	sadd.s32 s8, s13  }
0x1b4: {  	v0 =	vld [tilespmem:s18+$0xFFFFFFF0];
	_ =	sdelay $0x4  }
0x1b5: {  	[tilespmem:s12+$0x10400] =	vst v0  }
0x1b6: {  	v0 =	vld [tilespmem:s18+$0x0];
	_ =	sdelay $0x3  }
0x1b7: {  	s4 =	sadd.s32 $0x400, s4  }
0x1b8: {  	s7 =	sadd.s32 s7, s4;
	[tilespmem:s12+$0x10410] =	vst v0  }
0x1b9: {  	v0 =	vld [tilespmem:s7+$0xFFFFFFF0];
	_ =	sdelay $0x4  }
0x1ba: {  	[tilespmem:s12+$0x10600] =	vst v0  }
0x1bb: {  	v0 =	vld [tilespmem:s7+$0x0];
	_ =	sdelay $0x3  }
0x1bc: {  	s0 =	sadd.s32 $0x400, s0  }
0x1bd: {  	s7 =	sadd.s32 s8, s0;
	[tilespmem:s12+$0x10610] =	vst v0  }
0x1be: {  	v0 =	vld [tilespmem:s7+$0xFFFFFFF0];
	_ =	sdelay $0x1  }
.Ltmp3:
0x1bf: {  	(pc) =	sbr.rel @p0 .LBB2_9-.Ltmp3, $3  }
0x1c0: {  	_ =	sdelay $0x1  }
0x1c1: {  	s22 =	sadd.s32 $0x1, s22;
	[tilespmem:s12+$0x10800] =	vst v0  }
0x1c2: {  	s28 =	sadd.s32 $0x80, s28;
	s18 =	sld [smem:s22+$0x0];
	v0 =	vld [tilespmem:s7+$0x0]  }
0x1c3: {  	_ =	sdelay $0x1  }
0x1c4: {  	s7 =	sand.u32 $0x7, s18  }
0x1c5: {  	s8 =	sadd.s32 $0x400, s14;
	s7 =	sshll.u32 s7, $0x7  }
0x1c6: {  	s8 =	sadd.s32 s7, s8;
	[tilespmem:s12+$0x10810] =	vst v0  }
0x1c7: {  	v0 =	vld [tilespmem:s8+$0xFFFFFFF0];
	_ =	sdelay $0x3  }
0x1c8: {  	s22 =	sshra.s32 s15, $0x2  }
0x1c9: {  	s28 =	sadd.s32 $0x1, s17;
	[tilespmem:s22+$0x10200] =	vst v0  }
0x1ca: {  	s15 =	sld [smem:s28+$0x0];
	v0 =	vld [tilespmem:s8+$0x0];
	_ =	sdelay $0x2  }
0x1cb: {  	s8 =	sand.u32 $0x7, s15  }
0x1cc: {  	s13 =	sadd.s32 $0x400, s13;
	s8 =	sshll.u32 s8, $0x7  }
0x1cd: {  	s13 =	sadd.s32 s8, s13;
	[tilespmem:s22+$0x10210] =	vst v0  }
0x1ce: {  	v0 =	vld [tilespmem:s13+$0xFFFFFFF0];
	_ =	sdelay $0x4  }
0x1cf: {  	[tilespmem:s22+$0x10400] =	vst v0  }
0x1d0: {  	v0 =	vld [tilespmem:s13+$0x0];
	_ =	sdelay $0x3  }
0x1d1: {  	s4 =	sadd.s32 $0x400, s4  }
0x1d2: {  	s4 =	sadd.s32 s7, s4;
	[tilespmem:s22+$0x10410] =	vst v0  }
0x1d3: {  	v0 =	vld [tilespmem:s4+$0xFFFFFFF0];
	_ =	sdelay $0x4  }
0x1d4: {  	[tilespmem:s22+$0x10600] =	vst v0  }
0x1d5: {  	v0 =	vld [tilespmem:s4+$0x0];
	_ =	sdelay $0x3  }
0x1d6: {  	s0 =	sadd.s32 $0x400, s0  }
0x1d7: {  	s0 =	sadd.s32 s8, s0;
	[tilespmem:s22+$0x10610] =	vst v0  }
0x1d8: {  	v0 =	vld [tilespmem:s0+$0xFFFFFFF0];
	_ =	sdelay $0x4  }
0x1d9: {  	[tilespmem:s22+$0x10800] =	vst v0  }
0x1da: {  	v0 =	vld [tilespmem:s0+$0x0];
	_ =	sdelay $0x2  }
0x1db: {  	s17 =	sor.u32 s10, s26  }
0x1dc: {  	s0 =	sshll.u32 s17, $0x2  }
0x1dd: {  	s18 =	sadd.s32 s19, s0;
	[tilespmem:s22+$0x10810] =	vst v0  }
0x1de: {  	[hbm4b:s18+s1] =	stream.linear.scatter [tilespmem:s29], [sflag:$0x2], $0x200, $0x38;
	[tilespmem:$0x10A00] =	vst v63  }
0x1df: {  	s22 =	sadd.s32 s20, s0  }
0x1e0: {  	[hbm4b:s22+s1] =	stream.linear.scatter [tilespmem:s30], [sflag:$0x2], $0x200, $0x38;
	[tilespmem:$0x10A00] =	vst v63  }
0x1e1: {  	s26 =	sadd.s32 s9, s0  }
0x1e2: {  	[hbm4b:s26+s1] =	stream.linear.scatter [tilespmem:s31], [sflag:$0x2], $0x200, $0x38;
	[tilespmem:$0x10A00] =	vst v63  }
0x1e3: {  	s28 =	simm.s32 $0x10800;
	s0 =	sadd.s32 s11, s0  }
0x1e4: {  	[hbm4b:s0+s1] =	stream.linear.scatter [tilespmem:s28], [sflag:$0x2], $0x200, $0x38;
	[tilespmem:$0x10A00] =	vst v63  }
0x1e5: {  	_ =	swait.ge [sflag:s21], $0x200  }
0x1e6: {  	[sflag:s21] =	ssyncset.done $0x0  }
0x1e7: {  	[sflag:s21] =	ssyncadd.s32 $0xFFFFFE00  }
0x1e8: {  	_ =	swait.ge [sflag:s21], $0x200  }
0x1e9: {  	[sflag:s21] =	ssyncset.done $0x0  }
0x1ea: {  	s25 =	sadd.s32 $0x1, s25;
	[sflag:s21] =	ssyncadd.s32 $0xFFFFFE00  }
0x1eb: {  	p0 =	sne.s32 s25, $0x20;
	_ =	swait.ge [sflag:s21], $0x200  }
.Ltmp4:
0x1ec: {  	[sflag:s21] =	ssyncset.done $0x0;
	(pc) =	sbr.rel @p0 .LBB2_6-.Ltmp4, $4  }
0x1ed: {  	[sflag:s21] =	ssyncadd.s32 $0xFFFFFE00  }
0x1ee: {  	_ =	swait.ge [sflag:s21], $0x200  }
0x1ef: {  	[sflag:s21] =	ssyncset.done $0x0  }
0x1f0: {  	s24 =	sadd.s32 $0x10, s24;
	s23 =	sadd.s32 $0x10, s23;
	[sflag:s21] =	ssyncadd.s32 $0xFFFFFE00  }
0x1f1: {  	s4 =	rddreg [dreg:$0x9]  }
0x1f2: {  	s0 =	rddreg [dreg:$0x8];
	s4 =	sadd.s32 $0x1, s4  }
0x1f3: {  	p0 =	sne.s32 s4, s0  }
.Ltmp5:
0x1f4: {  	_ = 	snop;
	(pc) =	sbr.rel @p0 .LBB2_1-.Ltmp5, $2  }
0x1f5: {  	_ =	sdelay $0x2  }
0x1f6: {  	s7 =	simm.s32 $0x3  }
0x1f7: {  	_ =	sfence.sel $0x180000  }
0x1f8: {  	[bflag:$0x0] =	sbarrier.arrive $0xFFFF  }
0x1f9: {  	_ =	strace $0x90000047  }
0x1fa: {  	s0 =	stileid.u32;
	[bflag:$0x2] =	sbarrier.arrive $0xFFFF  }
0x1fb: {  	p0 =	sne.s32 s0, $0x0;
	s0 =	rddreg [dreg:$0x3]  }
0x1fc: {  	s0 =	sadd.s32 @!p0 $0x100000, s0  }
0x1fd: {  	[sflag:s0] =	ssyncadd.tile.s32 @!p0 $0x1;
	_ =	shalt  }
.Lfunc_end2:
_tile_overlayer_lowered:
.L_overlay_start_2:
0x1fe: {  	(tag) =	ssettag $0x2  }
0x1ff: {  	s0 =	rddreg [dreg:$0x0];
	s2 =	stileid.u32  }
0x200: {  	s1 =	rddreg [dreg:$0x1];
	p0 =	sne.s32 s2, $0x0  }
0x201: {  	s3 =	rddreg [dreg:$0x2];
	[bflag:$0x3] =	sbarrier.arrive $0xFFFF;
	s2 =	simm.s32 @!p0 $0x1C03  }
0x202: {  	[timem:s3], [sflag:s2] =	dma.local @!p0 [hbm:s0], s1  }
0x203: {  	s0 =	simm.s32 @!p0 $0x3  }
0x204: {  	_ =	swait.ge @!p0 [sflag:s0], s1  }
0x205: {  	s1 =	ssub.s32 @!p0 $0x0, s1;
	[sflag:s0] =	ssyncset.done @!p0 $0x0  }
0x206: {  	[sflag:s0] =	ssyncadd.s32 @!p0 s1  }
0x207: {  	[bflag:$0x3] =	sbarrier.arrive $0xFFFF  }
0x208: {  	_ =	shalt  }

</sc_bundles>
